<compile_context>
chip_gen: v7x
topology: tpu7x:2x2x1
jax: 0.10.2.dev20260603
libtpu: 0.0.44.dev20260713+nightly
codegen_flags: <defaults>
</compile_context>

<pallas_src>
import functools

import jax
import jax.numpy as jnp
from jax import lax
from jax.experimental import pallas as pl
from jax.experimental.pallas import tpu as pltpu
from jax.experimental.pallas import tpu_sc as plsc

D = 1024
TOTAL = 4 * 8192
NW = 32
NS = 16
B_PER_W = TOTAL // NW
CHUNK = 16
NBUF = 4
LOOK = 2
N_CHUNKS = B_PER_W // CHUNK
N_OUTER = N_CHUNKS // NBUF


def _make_gather():
    mesh = plsc.VectorSubcoreMesh(core_axis_name="c", subcore_axis_name="s")

    @functools.partial(
        pl.kernel,
        mesh=mesh,
        out_type=jax.ShapeDtypeStruct((TOTAL, D), jnp.float32),
        scratch_types=[
            pltpu.VMEM((B_PER_W,), jnp.int32),
            pltpu.VMEM((NBUF, CHUNK, D), jnp.float32),
            pltpu.VMEM_SHARED((NS, 3, CHUNK, D), jnp.float32),
            pltpu.SemaphoreType.DMA((NBUF,)),
            pltpu.SemaphoreType.DMA,
            pltpu.SemaphoreType.DMA((3,)),
            pltpu.SemaphoreType.DMA((3,)),
        ],
    )
    def gather_kernel(idx_hbm, table_hbm, out_hbm,
                      idx_v, rows_v, spm, gsem, osem, xsem, dsem):
        sid = lax.axis_index("s")
        wid = sid * 2 + lax.axis_index("c")
        base = wid * B_PER_W
        pltpu.sync_copy(idx_hbm.at[pl.ds(base, B_PER_W)], idx_v)

        def gather_chunk(c, b):
            off = pl.multiple_of(c * CHUNK, CHUNK)
            return pltpu.make_async_copy(
                table_hbm.at[idx_v.at[pl.ds(off, CHUNK)]],
                rows_v.at[b],
                gsem.at[b],
            )

        def out_direct(c):
            off = pl.multiple_of(c * CHUNK, CHUNK)
            return pltpu.make_async_copy(
                rows_v.at[0],
                out_hbm.at[pl.ds(base + off, CHUNK)],
                osem,
            )

        def crossbar(b, j):
            return pltpu.make_async_copy(
                rows_v.at[b], spm.at[sid, j], xsem.at[j]
            )

        def drain(c, j):
            off = pl.multiple_of(c * CHUNK, CHUNK)
            return pltpu.make_async_copy(
                spm.at[sid, j],
                out_hbm.at[pl.ds(base + off, CHUNK)],
                dsem.at[j],
            )

        for b in range(LOOK):
            gather_chunk(b, b).start()

        def body(g, carry):
            for b in range(NBUF):
                c = g * NBUF + b

                pb = (b - 2) % NBUF
                if pb != 0:
                    pj = pb - 1
                    if b < 2:
                        @pl.when(g > 0)
                        def _():
                            crossbar(pb, pj).wait()
                            drain(c - 2, pj).start()
                    else:
                        crossbar(pb, pj).wait()
                        drain(c - 2, pj).start()

                bn = (b + LOOK) % NBUF
                if bn == 0:
                    out_direct(c + LOOK - NBUF).wait()
                if b + LOOK < NBUF:
                    gather_chunk(c + LOOK, bn).start()
                else:
                    @pl.when(c + LOOK < N_CHUNKS)
                    def _():
                        gather_chunk(c + LOOK, bn).start()

                gather_chunk(c, b).wait()
                if b == 0:
                    out_direct(c).start()
                else:
                    j = b - 1

                    @pl.when(g > 0)
                    def _():
                        drain(c - NBUF, j).wait()

                    crossbar(b, j).start()

            return carry

        lax.fori_loop(0, N_OUTER, body, 0)

        last = N_CHUNKS - 1
        crossbar(2, 1).wait()
        drain(last - 1, 1).start()
        crossbar(3, 2).wait()
        drain(last, 2).start()
        drain(last - 2, 0).wait()
        drain(last - 1, 1).wait()
        drain(last, 2).wait()

    return gather_kernel


_gather = _make_gather()


@jax.jit
def kernel(position_ids, PosEnc):
    idx = position_ids.reshape(TOTAL).astype(jnp.int32)
    out = _gather(idx, PosEnc)
    return out.reshape(position_ids.shape + (D,))

# --- scband reference (transcript-rebuilt; emitter-appended) ---
"""Pipeline reference for scband-learn-abs-pos-enc-29472065585378 (READ-ONLY COPY).

The authoritative reference and input builder live on the scoring server;
editing this copy changes nothing except your own understanding.
"""

import jax, jax.numpy as jnp
import numpy as np

MAX_POS = 8193
NUM_HIDDENS = 1024
BATCH = 4
SEQ = 8192

def setup_inputs(seed: int = 0) -> dict:
    key = jax.random.key(seed)
    k_ids, k_enc = jax.random.split(key)
    position_ids = jax.random.randint(k_ids, (BATCH, SEQ), 0, MAX_POS, dtype=jnp.int64 if jax.config.jax_enable_x64 else jnp.int32)
    PosEnc = jax.random.normal(k_enc, (MAX_POS, NUM_HIDDENS), dtype=jnp.float32)
    return {"position_ids": position_ids, "PosEnc": PosEnc}

def reference(position_ids, PosEnc):
    # self.PosEnc[position_ids, :] -> gather rows of the learnable table
    return jnp.take(PosEnc, position_ids, axis=0)

if __name__ == "__main__":
    import jax
    _d = setup_inputs()
    print(jax.jit(kernel)(*tuple(_d.values())))

</pallas_src>

<mosaic_0001>
#map = affine_map<(d0, d1) -> (0)>
#map1 = affine_map<(d0, d1) -> (0, 0)>
module attributes {stable_mosaic.version = 14 : i64} {
  func.func @gather_kernel(%arg0: i32, %arg1: i32, %arg2: memref<32768xi32, #tpu.memory_space<hbm>>, %arg3: memref<8193x1024xf32, #tpu.memory_space<hbm>>, %arg4: memref<32768x1024xf32, #tpu.memory_space<hbm>>, %arg5: memref<1024xi32, #tpu.memory_space<vmem>>, %arg6: memref<4x16x1024xf32, #tpu.memory_space<vmem>>, %arg7: memref<16x3x16x1024xf32, #tpu.memory_space<vmem_shared>>, %arg8: memref<4x!tpu.dma_semaphore, #tpu.memory_space<semaphore_mem>>, %arg9: memref<!tpu.dma_semaphore, #tpu.memory_space<semaphore_mem>>, %arg10: memref<3x!tpu.dma_semaphore, #tpu.memory_space<semaphore_mem>>, %arg11: memref<3x!tpu.dma_semaphore, #tpu.memory_space<semaphore_mem>>) attributes {dimension_semantics = [#tpu.dimension_semantics<core_parallel>, #tpu.dimension_semantics<subcore_parallel>], iteration_bounds = array<i64: 2, 16>, scalar_prefetch = 0 : i64, scratch_operands = 7 : i64, tpu.core_type = #tpu.core_type<sc_vector_subcore>, window_params = [{transform_indices = #map}, {transform_indices = #map1}, {transform_indices = #map1}]} {
    %mul3A = arith.constant 2 : i32
    %mul3A_0 = arith.muli %arg1, %mul3A : i32
    %add3A = arith.addi %mul3A_0, %arg0 : i32
    %mul3A_1 = arith.constant 1024 : i32
    %mul3A_2 = arith.muli %add3A, %mul3A_1 : i32
    "tpu.region"() ({
      %run_scoped3A = tpu.sem_alloc : memref<!tpu.dma_semaphore, #tpu.memory_space<semaphore_mem>>
      %dma_start3A_140 = tpu.memref_slice %arg2[%mul3A_2] : memref<32768xi32, #tpu.memory_space<hbm>> -> memref<1024xi32, #tpu.memory_space<hbm>>
      %dma_start3A_141 = tpu.memref_slice %arg2[%mul3A_2] : memref<32768xi32, #tpu.memory_space<hbm>> -> memref<1024xi32, #tpu.memory_space<hbm>>
      tpu.enqueue_dma source(%dma_start3A_141 : memref<1024xi32, #tpu.memory_space<hbm>>) target(%arg5 : memref<1024xi32, #tpu.memory_space<vmem>>) target_semaphore(%run_scoped3A : memref<!tpu.dma_semaphore, #tpu.memory_space<semaphore_mem>>)
      %dma_wait3A_142 = tpu.memref_slice %arg2[%mul3A_2] : memref<32768xi32, #tpu.memory_space<hbm>> -> memref<1024xi32, #tpu.memory_space<hbm>>
      %dma_wait3A_143 = tpu.memref_slice %arg2[%mul3A_2] : memref<32768xi32, #tpu.memory_space<hbm>> -> memref<1024xi32, #tpu.memory_space<hbm>>
      tpu.wait_dma2 semaphore(%run_scoped3A : memref<!tpu.dma_semaphore, #tpu.memory_space<semaphore_mem>>) src(%dma_wait3A_143 : memref<1024xi32, #tpu.memory_space<hbm>>) dst(%arg5 : memref<1024xi32, #tpu.memory_space<vmem>>)
      tpu.yield
    }) : () -> ()
    %multiple_of3A = arith.constant 0 : i32
    %multiple_of3A_3 = tpu.assume_multiple %multiple_of3A, 16 : i32
    %dma_start3A = arith.constant 0 : i32
    %dma_start3A_4 = arith.constant 0 : i32
    %dma_start3A_5 = arith.constant 0 : i32
    %dma_start3A_6 = arith.constant 0 : i32
    %dma_start3A_7 = tpu.memref_slice %arg6[%dma_start3A, %dma_start3A_5, %dma_start3A_6] : memref<4x16x1024xf32, #tpu.memory_space<vmem>> -> memref<1x16x1024xf32, #tpu.memory_space<vmem>>
    %dma_start3A_8 = tpu.memref_squeeze %dma_start3A_7 : memref<1x16x1024xf32, #tpu.memory_space<vmem>> -> memref<16x1024xf32, #tpu.memory_space<vmem>>
    %dma_start3A_9 = tpu.memref_slice %arg5[%multiple_of3A_3] : memref<1024xi32, #tpu.memory_space<vmem>> -> memref<16xi32, #tpu.memory_space<vmem>>
    %dma_start3A_10 = arith.constant 0 : i32
    %dma_start3A_11 = arith.constant 0 : i32
    %dma_start3A_12 = tpu.memref_slice %arg3[%dma_start3A_10, %dma_start3A_11] : memref<8193x1024xf32, #tpu.memory_space<hbm>> -> memref<8193x1024xf32, #tpu.memory_space<hbm>>
    %dma_start3A_13 = tpu.memref_slice %arg8[%dma_start3A_4] : memref<4x!tpu.dma_semaphore, #tpu.memory_space<semaphore_mem>> -> memref<1x!tpu.dma_semaphore, #tpu.memory_space<semaphore_mem>>
    %dma_start3A_14 = tpu.memref_squeeze %dma_start3A_13 : memref<1x!tpu.dma_semaphore, #tpu.memory_space<semaphore_mem>> -> memref<!tpu.dma_semaphore, #tpu.memory_space<semaphore_mem>>
    tpu.enqueue_indirect_dma source(%dma_start3A_12 : memref<8193x1024xf32, #tpu.memory_space<hbm>>) target(%dma_start3A_8 : memref<16x1024xf32, #tpu.memory_space<vmem>>) offsets(%dma_start3A_9 : memref<16xi32, #tpu.memory_space<vmem>>) semaphore(%dma_start3A_14 : memref<!tpu.dma_semaphore, #tpu.memory_space<semaphore_mem>>)
    %multiple_of3A_15 = arith.constant 16 : i32
    %multiple_of3A_16 = tpu.assume_multiple %multiple_of3A_15, 16 : i32
    %dma_start3A_17 = arith.constant 1 : i32
    %dma_start3A_18 = arith.constant 1 : i32
    %dma_start3A_19 = arith.constant 0 : i32
    %dma_start3A_20 = arith.constant 0 : i32
    %dma_start3A_21 = tpu.memref_slice %arg6[%dma_start3A_17, %dma_start3A_19, %dma_start3A_20] : memref<4x16x1024xf32, #tpu.memory_space<vmem>> -> memref<1x16x1024xf32, #tpu.memory_space<vmem>>
    %dma_start3A_22 = tpu.memref_squeeze %dma_start3A_21 : memref<1x16x1024xf32, #tpu.memory_space<vmem>> -> memref<16x1024xf32, #tpu.memory_space<vmem>>
    %dma_start3A_23 = tpu.memref_slice %arg5[%multiple_of3A_16] : memref<1024xi32, #tpu.memory_space<vmem>> -> memref<16xi32, #tpu.memory_space<vmem>>
    %dma_start3A_24 = arith.constant 0 : i32
    %dma_start3A_25 = arith.constant 0 : i32
    %dma_start3A_26 = tpu.memref_slice %arg3[%dma_start3A_24, %dma_start3A_25] : memref<8193x1024xf32, #tpu.memory_space<hbm>> -> memref<8193x1024xf32, #tpu.memory_space<hbm>>
    %dma_start3A_27 = tpu.memref_slice %arg8[%dma_start3A_18] : memref<4x!tpu.dma_semaphore, #tpu.memory_space<semaphore_mem>> -> memref<1x!tpu.dma_semaphore, #tpu.memory_space<semaphore_mem>>
    %dma_start3A_28 = tpu.memref_squeeze %dma_start3A_27 : memref<1x!tpu.dma_semaphore, #tpu.memory_space<semaphore_mem>> -> memref<!tpu.dma_semaphore, #tpu.memory_space<semaphore_mem>>
    tpu.enqueue_indirect_dma source(%dma_start3A_26 : memref<8193x1024xf32, #tpu.memory_space<hbm>>) target(%dma_start3A_22 : memref<16x1024xf32, #tpu.memory_space<vmem>>) offsets(%dma_start3A_23 : memref<16xi32, #tpu.memory_space<vmem>>) semaphore(%dma_start3A_28 : memref<!tpu.dma_semaphore, #tpu.memory_space<semaphore_mem>>)
    %scan3A = arith.constant 0 : i32
    %scan3A_29 = arith.constant 0 : i32
    %scan3A_30 = arith.constant 16 : i32
    %scan3A_31 = arith.addi %scan3A_29, %scan3A_30 : i32
    %scan3A_32 = arith.constant 1 : i32
    scf.for %scan3A_140 = %scan3A_29 to %scan3A_31 step %scan3A_32  : i32 {
      %mul3A_141 = arith.constant 4 : i32
      %mul3A_142 = arith.muli %scan3A_140, %mul3A_141 : i32
      %add3A_143 = arith.constant 0 : i32
      %add3A_144 = arith.addi %mul3A_142, %add3A_143 : i32
      %gt3A = arith.constant 0 : i32
      %gt3A_145 = arith.cmpi sgt, %scan3A_140, %gt3A : i32
      %convert_element_type3A = arith.extui %gt3A_145 : i1 to i32
      %cond3A = arith.constant 0 : i32
      %cond3A_146 = arith.cmpi ne, %convert_element_type3A, %cond3A : i32
      scf.if %cond3A_146 {
        %dma_wait3A_423 = arith.constant 2 : i32
        %dma_wait3A_424 = arith.constant 1 : i32
        %dma_wait3A_425 = arith.constant 1 : i32
        %dma_wait3A_426 = arith.constant 0 : i32
        %dma_wait3A_427 = arith.constant 0 : i32
        %dma_wait3A_428 = tpu.memref_slice %arg6[%dma_wait3A_423, %dma_wait3A_426, %dma_wait3A_427] : memref<4x16x1024xf32, #tpu.memory_space<vmem>> -> memref<1x16x1024xf32, #tpu.memory_space<vmem>>
        %dma_wait3A_429 = tpu.memref_squeeze %dma_wait3A_428 : memref<1x16x1024xf32, #tpu.memory_space<vmem>> -> memref<16x1024xf32, #tpu.memory_space<vmem>>
        %dma_wait3A_430 = arith.constant 0 : i32
        %dma_wait3A_431 = arith.constant 0 : i32
        %dma_wait3A_432 = tpu.memref_slice %arg7[%arg1, %dma_wait3A_424, %dma_wait3A_430, %dma_wait3A_431] : memref<16x3x16x1024xf32, #tpu.memory_space<vmem_shared>> -> memref<1x1x16x1024xf32, #tpu.memory_space<vmem_shared>>
        %dma_wait3A_433 = tpu.memref_squeeze %dma_wait3A_432 : memref<1x1x16x1024xf32, #tpu.memory_space<vmem_shared>> -> memref<16x1024xf32, #tpu.memory_space<vmem_shared>>
        %dma_wait3A_434 = tpu.memref_slice %arg10[%dma_wait3A_425] : memref<3x!tpu.dma_semaphore, #tpu.memory_space<semaphore_mem>> -> memref<1x!tpu.dma_semaphore, #tpu.memory_space<semaphore_mem>>
        %dma_wait3A_435 = tpu.memref_squeeze %dma_wait3A_434 : memref<1x!tpu.dma_semaphore, #tpu.memory_space<semaphore_mem>> -> memref<!tpu.dma_semaphore, #tpu.memory_space<semaphore_mem>>
        %dma_wait3A_436 = arith.constant 0 : i32
        %dma_wait3A_437 = arith.constant 0 : i32
        %dma_wait3A_438 = tpu.memref_slice %arg7[%arg1, %dma_wait3A_424, %dma_wait3A_436, %dma_wait3A_437] : memref<16x3x16x1024xf32, #tpu.memory_space<vmem_shared>> -> memref<1x1x16x1024xf32, #tpu.memory_space<vmem_shared>>
        %dma_wait3A_439 = tpu.memref_squeeze %dma_wait3A_438 : memref<1x1x16x1024xf32, #tpu.memory_space<vmem_shared>> -> memref<16x1024xf32, #tpu.memory_space<vmem_shared>>
        %dma_wait3A_440 = arith.constant 0 : i32
        %dma_wait3A_441 = arith.constant 0 : i32
        %dma_wait3A_442 = tpu.memref_slice %arg6[%dma_wait3A_423, %dma_wait3A_440, %dma_wait3A_441] : memref<4x16x1024xf32, #tpu.memory_space<vmem>> -> memref<1x16x1024xf32, #tpu.memory_space<vmem>>
        %dma_wait3A_443 = tpu.memref_squeeze %dma_wait3A_442 : memref<1x16x1024xf32, #tpu.memory_space<vmem>> -> memref<16x1024xf32, #tpu.memory_space<vmem>>
        tpu.wait_dma2 semaphore(%dma_wait3A_435 : memref<!tpu.dma_semaphore, #tpu.memory_space<semaphore_mem>>) src(%dma_wait3A_443 : memref<16x1024xf32, #tpu.memory_space<vmem>>) dst(%dma_wait3A_439 : memref<16x1024xf32, #tpu.memory_space<vmem_shared>>)
        %sub3A_444 = arith.constant 2 : i32
        %sub3A_445 = arith.subi %add3A_144, %sub3A_444 : i32
        %mul3A_446 = arith.constant 16 : i32
        %mul3A_447 = arith.muli %sub3A_445, %mul3A_446 : i32
        %multiple_of3A_448 = tpu.assume_multiple %mul3A_447, 16 : i32
        %add3A_449 = arith.addi %mul3A_2, %multiple_of3A_448 : i32
        %dma_start3A_450 = arith.constant 1 : i32
        %dma_start3A_451 = arith.constant 1 : i32
        %dma_start3A_452 = tpu.memref_slice %arg11[%dma_start3A_451] : memref<3x!tpu.dma_semaphore, #tpu.memory_space<semaphore_mem>> -> memref<1x!tpu.dma_semaphore, #tpu.memory_space<semaphore_mem>>
        %dma_start3A_453 = tpu.memref_squeeze %dma_start3A_452 : memref<1x!tpu.dma_semaphore, #tpu.memory_space<semaphore_mem>> -> memref<!tpu.dma_semaphore, #tpu.memory_space<semaphore_mem>>
        %dma_start3A_454 = arith.constant 0 : i32
        %dma_start3A_455 = tpu.memref_slice %arg4[%add3A_449, %dma_start3A_454] : memref<32768x1024xf32, #tpu.memory_space<hbm>> -> memref<16x1024xf32, #tpu.memory_space<hbm>>
        %dma_start3A_456 = arith.constant 0 : i32
        %dma_start3A_457 = arith.constant 0 : i32
        %dma_start3A_458 = tpu.memref_slice %arg7[%arg1, %dma_start3A_450, %dma_start3A_456, %dma_start3A_457] : memref<16x3x16x1024xf32, #tpu.memory_space<vmem_shared>> -> memref<1x1x16x1024xf32, #tpu.memory_space<vmem_shared>>
        %dma_start3A_459 = tpu.memref_squeeze %dma_start3A_458 : memref<1x1x16x1024xf32, #tpu.memory_space<vmem_shared>> -> memref<16x1024xf32, #tpu.memory_space<vmem_shared>>
        tpu.enqueue_dma source(%dma_start3A_459 : memref<16x1024xf32, #tpu.memory_space<vmem_shared>>) target(%dma_start3A_455 : memref<16x1024xf32, #tpu.memory_space<hbm>>) target_semaphore(%dma_start3A_453 : memref<!tpu.dma_semaphore, #tpu.memory_space<semaphore_mem>>)
      } else {
      }
      %add3A_147 = arith.constant 2 : i32
      %add3A_148 = arith.addi %add3A_144, %add3A_147 : i32
      %mul3A_149 = arith.constant 16 : i32
      %mul3A_150 = arith.muli %add3A_148, %mul3A_149 : i32
      %multiple_of3A_151 = tpu.assume_multiple %mul3A_150, 16 : i32
      %dma_start3A_152 = arith.constant 2 : i32
      %dma_start3A_153 = arith.constant 2 : i32
      %dma_start3A_154 = arith.constant 0 : i32
      %dma_start3A_155 = arith.constant 0 : i32
      %dma_start3A_156 = tpu.memref_slice %arg6[%dma_start3A_152, %dma_start3A_154, %dma_start3A_155] : memref<4x16x1024xf32, #tpu.memory_space<vmem>> -> memref<1x16x1024xf32, #tpu.memory_space<vmem>>
      %dma_start3A_157 = tpu.memref_squeeze %dma_start3A_156 : memref<1x16x1024xf32, #tpu.memory_space<vmem>> -> memref<16x1024xf32, #tpu.memory_space<vmem>>
      %dma_start3A_158 = tpu.memref_slice %arg5[%multiple_of3A_151] : memref<1024xi32, #tpu.memory_space<vmem>> -> memref<16xi32, #tpu.memory_space<vmem>>
      %dma_start3A_159 = arith.constant 0 : i32
      %dma_start3A_160 = arith.constant 0 : i32
      %dma_start3A_161 = tpu.memref_slice %arg3[%dma_start3A_159, %dma_start3A_160] : memref<8193x1024xf32, #tpu.memory_space<hbm>> -> memref<8193x1024xf32, #tpu.memory_space<hbm>>
      %dma_start3A_162 = tpu.memref_slice %arg8[%dma_start3A_153] : memref<4x!tpu.dma_semaphore, #tpu.memory_space<semaphore_mem>> -> memref<1x!tpu.dma_semaphore, #tpu.memory_space<semaphore_mem>>
      %dma_start3A_163 = tpu.memref_squeeze %dma_start3A_162 : memref<1x!tpu.dma_semaphore, #tpu.memory_space<semaphore_mem>> -> memref<!tpu.dma_semaphore, #tpu.memory_space<semaphore_mem>>
      tpu.enqueue_indirect_dma source(%dma_start3A_161 : memref<8193x1024xf32, #tpu.memory_space<hbm>>) target(%dma_start3A_157 : memref<16x1024xf32, #tpu.memory_space<vmem>>) offsets(%dma_start3A_158 : memref<16xi32, #tpu.memory_space<vmem>>) semaphore(%dma_start3A_163 : memref<!tpu.dma_semaphore, #tpu.memory_space<semaphore_mem>>)
      %mul3A_164 = arith.constant 16 : i32
      %mul3A_165 = arith.muli %add3A_144, %mul3A_164 : i32
      %multiple_of3A_166 = tpu.assume_multiple %mul3A_165, 16 : i32
      %dma_wait3A_167 = arith.constant 0 : i32
      %dma_wait3A_168 = arith.constant 0 : i32
      %dma_wait3A_169 = arith.constant 0 : i32
      %dma_wait3A_170 = arith.constant 0 : i32
      %dma_wait3A_171 = tpu.memref_slice %arg6[%dma_wait3A_167, %dma_wait3A_169, %dma_wait3A_170] : memref<4x16x1024xf32, #tpu.memory_space<vmem>> -> memref<1x16x1024xf32, #tpu.memory_space<vmem>>
      %dma_wait3A_172 = tpu.memref_squeeze %dma_wait3A_171 : memref<1x16x1024xf32, #tpu.memory_space<vmem>> -> memref<16x1024xf32, #tpu.memory_space<vmem>>
      %dma_wait3A_173 = tpu.memref_slice %arg5[%multiple_of3A_166] : memref<1024xi32, #tpu.memory_space<vmem>> -> memref<16xi32, #tpu.memory_space<vmem>>
      %dma_wait3A_174 = arith.constant 0 : i32
      %dma_wait3A_175 = arith.constant 0 : i32
      %dma_wait3A_176 = tpu.memref_slice %arg3[%dma_wait3A_174, %dma_wait3A_175] : memref<8193x1024xf32, #tpu.memory_space<hbm>> -> memref<8193x1024xf32, #tpu.memory_space<hbm>>
      %dma_wait3A_177 = tpu.memref_slice %arg8[%dma_wait3A_168] : memref<4x!tpu.dma_semaphore, #tpu.memory_space<semaphore_mem>> -> memref<1x!tpu.dma_semaphore, #tpu.memory_space<semaphore_mem>>
      %dma_wait3A_178 = tpu.memref_squeeze %dma_wait3A_177 : memref<1x!tpu.dma_semaphore, #tpu.memory_space<semaphore_mem>> -> memref<!tpu.dma_semaphore, #tpu.memory_space<semaphore_mem>>
      tpu.wait_indirect_dma semaphore(%dma_wait3A_178 : memref<!tpu.dma_semaphore, #tpu.memory_space<semaphore_mem>>) src(%dma_wait3A_176 : memref<8193x1024xf32, #tpu.memory_space<hbm>>) dst(%dma_wait3A_172 : memref<16x1024xf32, #tpu.memory_space<vmem>>)
      %mul3A_179 = arith.constant 16 : i32
      %mul3A_180 = arith.muli %add3A_144, %mul3A_179 : i32
      %multiple_of3A_181 = tpu.assume_multiple %mul3A_180, 16 : i32
      %add3A_182 = arith.addi %mul3A_2, %multiple_of3A_181 : i32
      %dma_start3A_183 = arith.constant 0 : i32
      %dma_start3A_184 = arith.constant 0 : i32
      %dma_start3A_185 = arith.constant 0 : i32
      %dma_start3A_186 = tpu.memref_slice %arg6[%dma_start3A_183, %dma_start3A_184, %dma_start3A_185] : memref<4x16x1024xf32, #tpu.memory_space<vmem>> -> memref<1x16x1024xf32, #tpu.memory_space<vmem>>
      %dma_start3A_187 = tpu.memref_squeeze %dma_start3A_186 : memref<1x16x1024xf32, #tpu.memory_space<vmem>> -> memref<16x1024xf32, #tpu.memory_space<vmem>>
      %dma_start3A_188 = arith.constant 0 : i32
      %dma_start3A_189 = tpu.memref_slice %arg4[%add3A_182, %dma_start3A_188] : memref<32768x1024xf32, #tpu.memory_space<hbm>> -> memref<16x1024xf32, #tpu.memory_space<hbm>>
      %dma_start3A_190 = arith.constant 0 : i32
      %dma_start3A_191 = tpu.memref_slice %arg4[%add3A_182, %dma_start3A_190] : memref<32768x1024xf32, #tpu.memory_space<hbm>> -> memref<16x1024xf32, #tpu.memory_space<hbm>>
      %dma_start3A_192 = arith.constant 0 : i32
      %dma_start3A_193 = arith.constant 0 : i32
      %dma_start3A_194 = tpu.memref_slice %arg6[%dma_start3A_183, %dma_start3A_192, %dma_start3A_193] : memref<4x16x1024xf32, #tpu.memory_space<vmem>> -> memref<1x16x1024xf32, #tpu.memory_space<vmem>>
      %dma_start3A_195 = tpu.memref_squeeze %dma_start3A_194 : memref<1x16x1024xf32, #tpu.memory_space<vmem>> -> memref<16x1024xf32, #tpu.memory_space<vmem>>
      tpu.enqueue_dma source(%dma_start3A_195 : memref<16x1024xf32, #tpu.memory_space<vmem>>) target(%dma_start3A_191 : memref<16x1024xf32, #tpu.memory_space<hbm>>) target_semaphore(%arg9 : memref<!tpu.dma_semaphore, #tpu.memory_space<semaphore_mem>>)
      %mul3A_196 = arith.constant 4 : i32
      %mul3A_197 = arith.muli %scan3A_140, %mul3A_196 : i32
      %add3A_198 = arith.constant 1 : i32
      %add3A_199 = arith.addi %mul3A_197, %add3A_198 : i32
      %gt3A_200 = arith.constant 0 : i32
      %gt3A_201 = arith.cmpi sgt, %scan3A_140, %gt3A_200 : i32
      %convert_element_type3A_202 = arith.extui %gt3A_201 : i1 to i32
      %cond3A_203 = arith.constant 0 : i32
      %cond3A_204 = arith.cmpi ne, %convert_element_type3A_202, %cond3A_203 : i32
      scf.if %cond3A_204 {
        %dma_wait3A_423 = arith.constant 3 : i32
        %dma_wait3A_424 = arith.constant 2 : i32
        %dma_wait3A_425 = arith.constant 2 : i32
        %dma_wait3A_426 = arith.constant 0 : i32
        %dma_wait3A_427 = arith.constant 0 : i32
        %dma_wait3A_428 = tpu.memref_slice %arg6[%dma_wait3A_423, %dma_wait3A_426, %dma_wait3A_427] : memref<4x16x1024xf32, #tpu.memory_space<vmem>> -> memref<1x16x1024xf32, #tpu.memory_space<vmem>>
        %dma_wait3A_429 = tpu.memref_squeeze %dma_wait3A_428 : memref<1x16x1024xf32, #tpu.memory_space<vmem>> -> memref<16x1024xf32, #tpu.memory_space<vmem>>
        %dma_wait3A_430 = arith.constant 0 : i32
        %dma_wait3A_431 = arith.constant 0 : i32
        %dma_wait3A_432 = tpu.memref_slice %arg7[%arg1, %dma_wait3A_424, %dma_wait3A_430, %dma_wait3A_431] : memref<16x3x16x1024xf32, #tpu.memory_space<vmem_shared>> -> memref<1x1x16x1024xf32, #tpu.memory_space<vmem_shared>>
        %dma_wait3A_433 = tpu.memref_squeeze %dma_wait3A_432 : memref<1x1x16x1024xf32, #tpu.memory_space<vmem_shared>> -> memref<16x1024xf32, #tpu.memory_space<vmem_shared>>
        %dma_wait3A_434 = tpu.memref_slice %arg10[%dma_wait3A_425] : memref<3x!tpu.dma_semaphore, #tpu.memory_space<semaphore_mem>> -> memref<1x!tpu.dma_semaphore, #tpu.memory_space<semaphore_mem>>
        %dma_wait3A_435 = tpu.memref_squeeze %dma_wait3A_434 : memref<1x!tpu.dma_semaphore, #tpu.memory_space<semaphore_mem>> -> memref<!tpu.dma_semaphore, #tpu.memory_space<semaphore_mem>>
        %dma_wait3A_436 = arith.constant 0 : i32
        %dma_wait3A_437 = arith.constant 0 : i32
        %dma_wait3A_438 = tpu.memref_slice %arg7[%arg1, %dma_wait3A_424, %dma_wait3A_436, %dma_wait3A_437] : memref<16x3x16x1024xf32, #tpu.memory_space<vmem_shared>> -> memref<1x1x16x1024xf32, #tpu.memory_space<vmem_shared>>
        %dma_wait3A_439 = tpu.memref_squeeze %dma_wait3A_438 : memref<1x1x16x1024xf32, #tpu.memory_space<vmem_shared>> -> memref<16x1024xf32, #tpu.memory_space<vmem_shared>>
        %dma_wait3A_440 = arith.constant 0 : i32
        %dma_wait3A_441 = arith.constant 0 : i32
        %dma_wait3A_442 = tpu.memref_slice %arg6[%dma_wait3A_423, %dma_wait3A_440, %dma_wait3A_441] : memref<4x16x1024xf32, #tpu.memory_space<vmem>> -> memref<1x16x1024xf32, #tpu.memory_space<vmem>>
        %dma_wait3A_443 = tpu.memref_squeeze %dma_wait3A_442 : memref<1x16x1024xf32, #tpu.memory_space<vmem>> -> memref<16x1024xf32, #tpu.memory_space<vmem>>
        tpu.wait_dma2 semaphore(%dma_wait3A_435 : memref<!tpu.dma_semaphore, #tpu.memory_space<semaphore_mem>>) src(%dma_wait3A_443 : memref<16x1024xf32, #tpu.memory_space<vmem>>) dst(%dma_wait3A_439 : memref<16x1024xf32, #tpu.memory_space<vmem_shared>>)
        %sub3A_444 = arith.constant 2 : i32
        %sub3A_445 = arith.subi %add3A_199, %sub3A_444 : i32
        %mul3A_446 = arith.constant 16 : i32
        %mul3A_447 = arith.muli %sub3A_445, %mul3A_446 : i32
        %multiple_of3A_448 = tpu.assume_multiple %mul3A_447, 16 : i32
        %add3A_449 = arith.addi %mul3A_2, %multiple_of3A_448 : i32
        %dma_start3A_450 = arith.constant 2 : i32
        %dma_start3A_451 = arith.constant 2 : i32
        %dma_start3A_452 = tpu.memref_slice %arg11[%dma_start3A_451] : memref<3x!tpu.dma_semaphore, #tpu.memory_space<semaphore_mem>> -> memref<1x!tpu.dma_semaphore, #tpu.memory_space<semaphore_mem>>
        %dma_start3A_453 = tpu.memref_squeeze %dma_start3A_452 : memref<1x!tpu.dma_semaphore, #tpu.memory_space<semaphore_mem>> -> memref<!tpu.dma_semaphore, #tpu.memory_space<semaphore_mem>>
        %dma_start3A_454 = arith.constant 0 : i32
        %dma_start3A_455 = tpu.memref_slice %arg4[%add3A_449, %dma_start3A_454] : memref<32768x1024xf32, #tpu.memory_space<hbm>> -> memref<16x1024xf32, #tpu.memory_space<hbm>>
        %dma_start3A_456 = arith.constant 0 : i32
        %dma_start3A_457 = arith.constant 0 : i32
        %dma_start3A_458 = tpu.memref_slice %arg7[%arg1, %dma_start3A_450, %dma_start3A_456, %dma_start3A_457] : memref<16x3x16x1024xf32, #tpu.memory_space<vmem_shared>> -> memref<1x1x16x1024xf32, #tpu.memory_space<vmem_shared>>
        %dma_start3A_459 = tpu.memref_squeeze %dma_start3A_458 : memref<1x1x16x1024xf32, #tpu.memory_space<vmem_shared>> -> memref<16x1024xf32, #tpu.memory_space<vmem_shared>>
        tpu.enqueue_dma source(%dma_start3A_459 : memref<16x1024xf32, #tpu.memory_space<vmem_shared>>) target(%dma_start3A_455 : memref<16x1024xf32, #tpu.memory_space<hbm>>) target_semaphore(%dma_start3A_453 : memref<!tpu.dma_semaphore, #tpu.memory_space<semaphore_mem>>)
      } else {
      }
      %add3A_205 = arith.constant 2 : i32
      %add3A_206 = arith.addi %add3A_199, %add3A_205 : i32
      %mul3A_207 = arith.constant 16 : i32
      %mul3A_208 = arith.muli %add3A_206, %mul3A_207 : i32
      %multiple_of3A_209 = tpu.assume_multiple %mul3A_208, 16 : i32
      %dma_start3A_210 = arith.constant 3 : i32
      %dma_start3A_211 = arith.constant 3 : i32
      %dma_start3A_212 = arith.constant 0 : i32
      %dma_start3A_213 = arith.constant 0 : i32
      %dma_start3A_214 = tpu.memref_slice %arg6[%dma_start3A_210, %dma_start3A_212, %dma_start3A_213] : memref<4x16x1024xf32, #tpu.memory_space<vmem>> -> memref<1x16x1024xf32, #tpu.memory_space<vmem>>
      %dma_start3A_215 = tpu.memref_squeeze %dma_start3A_214 : memref<1x16x1024xf32, #tpu.memory_space<vmem>> -> memref<16x1024xf32, #tpu.memory_space<vmem>>
      %dma_start3A_216 = tpu.memref_slice %arg5[%multiple_of3A_209] : memref<1024xi32, #tpu.memory_space<vmem>> -> memref<16xi32, #tpu.memory_space<vmem>>
      %dma_start3A_217 = arith.constant 0 : i32
      %dma_start3A_218 = arith.constant 0 : i32
      %dma_start3A_219 = tpu.memref_slice %arg3[%dma_start3A_217, %dma_start3A_218] : memref<8193x1024xf32, #tpu.memory_space<hbm>> -> memref<8193x1024xf32, #tpu.memory_space<hbm>>
      %dma_start3A_220 = tpu.memref_slice %arg8[%dma_start3A_211] : memref<4x!tpu.dma_semaphore, #tpu.memory_space<semaphore_mem>> -> memref<1x!tpu.dma_semaphore, #tpu.memory_space<semaphore_mem>>
      %dma_start3A_221 = tpu.memref_squeeze %dma_start3A_220 : memref<1x!tpu.dma_semaphore, #tpu.memory_space<semaphore_mem>> -> memref<!tpu.dma_semaphore, #tpu.memory_space<semaphore_mem>>
      tpu.enqueue_indirect_dma source(%dma_start3A_219 : memref<8193x1024xf32, #tpu.memory_space<hbm>>) target(%dma_start3A_215 : memref<16x1024xf32, #tpu.memory_space<vmem>>) offsets(%dma_start3A_216 : memref<16xi32, #tpu.memory_space<vmem>>) semaphore(%dma_start3A_221 : memref<!tpu.dma_semaphore, #tpu.memory_space<semaphore_mem>>)
      %mul3A_222 = arith.constant 16 : i32
      %mul3A_223 = arith.muli %add3A_199, %mul3A_222 : i32
      %multiple_of3A_224 = tpu.assume_multiple %mul3A_223, 16 : i32
      %dma_wait3A_225 = arith.constant 1 : i32
      %dma_wait3A_226 = arith.constant 1 : i32
      %dma_wait3A_227 = arith.constant 0 : i32
      %dma_wait3A_228 = arith.constant 0 : i32
      %dma_wait3A_229 = tpu.memref_slice %arg6[%dma_wait3A_225, %dma_wait3A_227, %dma_wait3A_228] : memref<4x16x1024xf32, #tpu.memory_space<vmem>> -> memref<1x16x1024xf32, #tpu.memory_space<vmem>>
      %dma_wait3A_230 = tpu.memref_squeeze %dma_wait3A_229 : memref<1x16x1024xf32, #tpu.memory_space<vmem>> -> memref<16x1024xf32, #tpu.memory_space<vmem>>
      %dma_wait3A_231 = tpu.memref_slice %arg5[%multiple_of3A_224] : memref<1024xi32, #tpu.memory_space<vmem>> -> memref<16xi32, #tpu.memory_space<vmem>>
      %dma_wait3A_232 = arith.constant 0 : i32
      %dma_wait3A_233 = arith.constant 0 : i32
      %dma_wait3A_234 = tpu.memref_slice %arg3[%dma_wait3A_232, %dma_wait3A_233] : memref<8193x1024xf32, #tpu.memory_space<hbm>> -> memref<8193x1024xf32, #tpu.memory_space<hbm>>
      %dma_wait3A_235 = tpu.memref_slice %arg8[%dma_wait3A_226] : memref<4x!tpu.dma_semaphore, #tpu.memory_space<semaphore_mem>> -> memref<1x!tpu.dma_semaphore, #tpu.memory_space<semaphore_mem>>
      %dma_wait3A_236 = tpu.memref_squeeze %dma_wait3A_235 : memref<1x!tpu.dma_semaphore, #tpu.memory_space<semaphore_mem>> -> memref<!tpu.dma_semaphore, #tpu.memory_space<semaphore_mem>>
      tpu.wait_indirect_dma semaphore(%dma_wait3A_236 : memref<!tpu.dma_semaphore, #tpu.memory_space<semaphore_mem>>) src(%dma_wait3A_234 : memref<8193x1024xf32, #tpu.memory_space<hbm>>) dst(%dma_wait3A_230 : memref<16x1024xf32, #tpu.memory_space<vmem>>)
      %gt3A_237 = arith.constant 0 : i32
      %gt3A_238 = arith.cmpi sgt, %scan3A_140, %gt3A_237 : i32
      %convert_element_type3A_239 = arith.extui %gt3A_238 : i1 to i32
      %cond3A_240 = arith.constant 0 : i32
      %cond3A_241 = arith.cmpi ne, %convert_element_type3A_239, %cond3A_240 : i32
      scf.if %cond3A_241 {
        %sub3A_423 = arith.constant 4 : i32
        %sub3A_424 = arith.subi %add3A_199, %sub3A_423 : i32
        %mul3A_425 = arith.constant 16 : i32
        %mul3A_426 = arith.muli %sub3A_424, %mul3A_425 : i32
        %multiple_of3A_427 = tpu.assume_multiple %mul3A_426, 16 : i32
        %add3A_428 = arith.addi %mul3A_2, %multiple_of3A_427 : i32
        %dma_wait3A_429 = arith.constant 0 : i32
        %dma_wait3A_430 = arith.constant 0 : i32
        %dma_wait3A_431 = tpu.memref_slice %arg11[%dma_wait3A_430] : memref<3x!tpu.dma_semaphore, #tpu.memory_space<semaphore_mem>> -> memref<1x!tpu.dma_semaphore, #tpu.memory_space<semaphore_mem>>
        %dma_wait3A_432 = tpu.memref_squeeze %dma_wait3A_431 : memref<1x!tpu.dma_semaphore, #tpu.memory_space<semaphore_mem>> -> memref<!tpu.dma_semaphore, #tpu.memory_space<semaphore_mem>>
        %dma_wait3A_433 = arith.constant 0 : i32
        %dma_wait3A_434 = tpu.memref_slice %arg4[%add3A_428, %dma_wait3A_433] : memref<32768x1024xf32, #tpu.memory_space<hbm>> -> memref<16x1024xf32, #tpu.memory_space<hbm>>
        %dma_wait3A_435 = arith.constant 0 : i32
        %dma_wait3A_436 = arith.constant 0 : i32
        %dma_wait3A_437 = tpu.memref_slice %arg7[%arg1, %dma_wait3A_429, %dma_wait3A_435, %dma_wait3A_436] : memref<16x3x16x1024xf32, #tpu.memory_space<vmem_shared>> -> memref<1x1x16x1024xf32, #tpu.memory_space<vmem_shared>>
        %dma_wait3A_438 = tpu.memref_squeeze %dma_wait3A_437 : memref<1x1x16x1024xf32, #tpu.memory_space<vmem_shared>> -> memref<16x1024xf32, #tpu.memory_space<vmem_shared>>
        tpu.wait_dma2 semaphore(%dma_wait3A_432 : memref<!tpu.dma_semaphore, #tpu.memory_space<semaphore_mem>>) src(%dma_wait3A_438 : memref<16x1024xf32, #tpu.memory_space<vmem_shared>>) dst(%dma_wait3A_434 : memref<16x1024xf32, #tpu.memory_space<hbm>>)
      } else {
      }
      %dma_start3A_242 = arith.constant 1 : i32
      %dma_start3A_243 = arith.constant 0 : i32
      %dma_start3A_244 = arith.constant 0 : i32
      %dma_start3A_245 = arith.constant 0 : i32
      %dma_start3A_246 = arith.constant 0 : i32
      %dma_start3A_247 = tpu.memref_slice %arg6[%dma_start3A_242, %dma_start3A_245, %dma_start3A_246] : memref<4x16x1024xf32, #tpu.memory_space<vmem>> -> memref<1x16x1024xf32, #tpu.memory_space<vmem>>
      %dma_start3A_248 = tpu.memref_squeeze %dma_start3A_247 : memref<1x16x1024xf32, #tpu.memory_space<vmem>> -> memref<16x1024xf32, #tpu.memory_space<vmem>>
      %dma_start3A_249 = arith.constant 0 : i32
      %dma_start3A_250 = arith.constant 0 : i32
      %dma_start3A_251 = tpu.memref_slice %arg7[%arg1, %dma_start3A_243, %dma_start3A_249, %dma_start3A_250] : memref<16x3x16x1024xf32, #tpu.memory_space<vmem_shared>> -> memref<1x1x16x1024xf32, #tpu.memory_space<vmem_shared>>
      %dma_start3A_252 = tpu.memref_squeeze %dma_start3A_251 : memref<1x1x16x1024xf32, #tpu.memory_space<vmem_shared>> -> memref<16x1024xf32, #tpu.memory_space<vmem_shared>>
      %dma_start3A_253 = tpu.memref_slice %arg10[%dma_start3A_244] : memref<3x!tpu.dma_semaphore, #tpu.memory_space<semaphore_mem>> -> memref<1x!tpu.dma_semaphore, #tpu.memory_space<semaphore_mem>>
      %dma_start3A_254 = tpu.memref_squeeze %dma_start3A_253 : memref<1x!tpu.dma_semaphore, #tpu.memory_space<semaphore_mem>> -> memref<!tpu.dma_semaphore, #tpu.memory_space<semaphore_mem>>
      %dma_start3A_255 = arith.constant 0 : i32
      %dma_start3A_256 = arith.constant 0 : i32
      %dma_start3A_257 = tpu.memref_slice %arg7[%arg1, %dma_start3A_243, %dma_start3A_255, %dma_start3A_256] : memref<16x3x16x1024xf32, #tpu.memory_space<vmem_shared>> -> memref<1x1x16x1024xf32, #tpu.memory_space<vmem_shared>>
      %dma_start3A_258 = tpu.memref_squeeze %dma_start3A_257 : memref<1x1x16x1024xf32, #tpu.memory_space<vmem_shared>> -> memref<16x1024xf32, #tpu.memory_space<vmem_shared>>
      %dma_start3A_259 = arith.constant 0 : i32
      %dma_start3A_260 = arith.constant 0 : i32
      %dma_start3A_261 = tpu.memref_slice %arg6[%dma_start3A_242, %dma_start3A_259, %dma_start3A_260] : memref<4x16x1024xf32, #tpu.memory_space<vmem>> -> memref<1x16x1024xf32, #tpu.memory_space<vmem>>
      %dma_start3A_262 = tpu.memref_squeeze %dma_start3A_261 : memref<1x16x1024xf32, #tpu.memory_space<vmem>> -> memref<16x1024xf32, #tpu.memory_space<vmem>>
      tpu.enqueue_dma source(%dma_start3A_262 : memref<16x1024xf32, #tpu.memory_space<vmem>>) target(%dma_start3A_258 : memref<16x1024xf32, #tpu.memory_space<vmem_shared>>) target_semaphore(%dma_start3A_254 : memref<!tpu.dma_semaphore, #tpu.memory_space<semaphore_mem>>)
      %mul3A_263 = arith.constant 4 : i32
      %mul3A_264 = arith.muli %scan3A_140, %mul3A_263 : i32
      %add3A_265 = arith.constant 2 : i32
      %add3A_266 = arith.addi %mul3A_264, %add3A_265 : i32
      %add3A_267 = arith.constant 2 : i32
      %add3A_268 = arith.addi %add3A_266, %add3A_267 : i32
      %sub3A = arith.constant 4 : i32
      %sub3A_269 = arith.subi %add3A_268, %sub3A : i32
      %mul3A_270 = arith.constant 16 : i32
      %mul3A_271 = arith.muli %sub3A_269, %mul3A_270 : i32
      %multiple_of3A_272 = tpu.assume_multiple %mul3A_271, 16 : i32
      %add3A_273 = arith.addi %mul3A_2, %multiple_of3A_272 : i32
      %dma_wait3A_274 = arith.constant 0 : i32
      %dma_wait3A_275 = arith.constant 0 : i32
      %dma_wait3A_276 = arith.constant 0 : i32
      %dma_wait3A_277 = tpu.memref_slice %arg6[%dma_wait3A_274, %dma_wait3A_275, %dma_wait3A_276] : memref<4x16x1024xf32, #tpu.memory_space<vmem>> -> memref<1x16x1024xf32, #tpu.memory_space<vmem>>
      %dma_wait3A_278 = tpu.memref_squeeze %dma_wait3A_277 : memref<1x16x1024xf32, #tpu.memory_space<vmem>> -> memref<16x1024xf32, #tpu.memory_space<vmem>>
      %dma_wait3A_279 = arith.constant 0 : i32
      %dma_wait3A_280 = tpu.memref_slice %arg4[%add3A_273, %dma_wait3A_279] : memref<32768x1024xf32, #tpu.memory_space<hbm>> -> memref<16x1024xf32, #tpu.memory_space<hbm>>
      %dma_wait3A_281 = arith.constant 0 : i32
      %dma_wait3A_282 = tpu.memref_slice %arg4[%add3A_273, %dma_wait3A_281] : memref<32768x1024xf32, #tpu.memory_space<hbm>> -> memref<16x1024xf32, #tpu.memory_space<hbm>>
      %dma_wait3A_283 = arith.constant 0 : i32
      %dma_wait3A_284 = arith.constant 0 : i32
      %dma_wait3A_285 = tpu.memref_slice %arg6[%dma_wait3A_274, %dma_wait3A_283, %dma_wait3A_284] : memref<4x16x1024xf32, #tpu.memory_space<vmem>> -> memref<1x16x1024xf32, #tpu.memory_space<vmem>>
      %dma_wait3A_286 = tpu.memref_squeeze %dma_wait3A_285 : memref<1x16x1024xf32, #tpu.memory_space<vmem>> -> memref<16x1024xf32, #tpu.memory_space<vmem>>
      tpu.wait_dma2 semaphore(%arg9 : memref<!tpu.dma_semaphore, #tpu.memory_space<semaphore_mem>>) src(%dma_wait3A_286 : memref<16x1024xf32, #tpu.memory_space<vmem>>) dst(%dma_wait3A_282 : memref<16x1024xf32, #tpu.memory_space<hbm>>)
      %add3A_287 = arith.constant 2 : i32
      %add3A_288 = arith.addi %add3A_266, %add3A_287 : i32
      %lt3A = arith.constant 64 : i32
      %lt3A_289 = arith.cmpi slt, %add3A_288, %lt3A : i32
      %convert_element_type3A_290 = arith.extui %lt3A_289 : i1 to i32
      %cond3A_291 = arith.constant 0 : i32
      %cond3A_292 = arith.cmpi ne, %convert_element_type3A_290, %cond3A_291 : i32
      scf.if %cond3A_292 {
        %add3A_423 = arith.constant 2 : i32
        %add3A_424 = arith.addi %add3A_266, %add3A_423 : i32
        %mul3A_425 = arith.constant 16 : i32
        %mul3A_426 = arith.muli %add3A_424, %mul3A_425 : i32
        %multiple_of3A_427 = tpu.assume_multiple %mul3A_426, 16 : i32
        %dma_start3A_428 = arith.constant 0 : i32
        %dma_start3A_429 = arith.constant 0 : i32
        %dma_start3A_430 = arith.constant 0 : i32
        %dma_start3A_431 = arith.constant 0 : i32
        %dma_start3A_432 = tpu.memref_slice %arg6[%dma_start3A_428, %dma_start3A_430, %dma_start3A_431] : memref<4x16x1024xf32, #tpu.memory_space<vmem>> -> memref<1x16x1024xf32, #tpu.memory_space<vmem>>
        %dma_start3A_433 = tpu.memref_squeeze %dma_start3A_432 : memref<1x16x1024xf32, #tpu.memory_space<vmem>> -> memref<16x1024xf32, #tpu.memory_space<vmem>>
        %dma_start3A_434 = tpu.memref_slice %arg5[%multiple_of3A_427] : memref<1024xi32, #tpu.memory_space<vmem>> -> memref<16xi32, #tpu.memory_space<vmem>>
        %dma_start3A_435 = arith.constant 0 : i32
        %dma_start3A_436 = arith.constant 0 : i32
        %dma_start3A_437 = tpu.memref_slice %arg3[%dma_start3A_435, %dma_start3A_436] : memref<8193x1024xf32, #tpu.memory_space<hbm>> -> memref<8193x1024xf32, #tpu.memory_space<hbm>>
        %dma_start3A_438 = tpu.memref_slice %arg8[%dma_start3A_429] : memref<4x!tpu.dma_semaphore, #tpu.memory_space<semaphore_mem>> -> memref<1x!tpu.dma_semaphore, #tpu.memory_space<semaphore_mem>>
        %dma_start3A_439 = tpu.memref_squeeze %dma_start3A_438 : memref<1x!tpu.dma_semaphore, #tpu.memory_space<semaphore_mem>> -> memref<!tpu.dma_semaphore, #tpu.memory_space<semaphore_mem>>
        tpu.enqueue_indirect_dma source(%dma_start3A_437 : memref<8193x1024xf32, #tpu.memory_space<hbm>>) target(%dma_start3A_433 : memref<16x1024xf32, #tpu.memory_space<vmem>>) offsets(%dma_start3A_434 : memref<16xi32, #tpu.memory_space<vmem>>) semaphore(%dma_start3A_439 : memref<!tpu.dma_semaphore, #tpu.memory_space<semaphore_mem>>)
      } else {
      }
      %mul3A_293 = arith.constant 16 : i32
      %mul3A_294 = arith.muli %add3A_266, %mul3A_293 : i32
      %multiple_of3A_295 = tpu.assume_multiple %mul3A_294, 16 : i32
      %dma_wait3A_296 = arith.constant 2 : i32
      %dma_wait3A_297 = arith.constant 2 : i32
      %dma_wait3A_298 = arith.constant 0 : i32
      %dma_wait3A_299 = arith.constant 0 : i32
      %dma_wait3A_300 = tpu.memref_slice %arg6[%dma_wait3A_296, %dma_wait3A_298, %dma_wait3A_299] : memref<4x16x1024xf32, #tpu.memory_space<vmem>> -> memref<1x16x1024xf32, #tpu.memory_space<vmem>>
      %dma_wait3A_301 = tpu.memref_squeeze %dma_wait3A_300 : memref<1x16x1024xf32, #tpu.memory_space<vmem>> -> memref<16x1024xf32, #tpu.memory_space<vmem>>
      %dma_wait3A_302 = tpu.memref_slice %arg5[%multiple_of3A_295] : memref<1024xi32, #tpu.memory_space<vmem>> -> memref<16xi32, #tpu.memory_space<vmem>>
      %dma_wait3A_303 = arith.constant 0 : i32
      %dma_wait3A_304 = arith.constant 0 : i32
      %dma_wait3A_305 = tpu.memref_slice %arg3[%dma_wait3A_303, %dma_wait3A_304] : memref<8193x1024xf32, #tpu.memory_space<hbm>> -> memref<8193x1024xf32, #tpu.memory_space<hbm>>
      %dma_wait3A_306 = tpu.memref_slice %arg8[%dma_wait3A_297] : memref<4x!tpu.dma_semaphore, #tpu.memory_space<semaphore_mem>> -> memref<1x!tpu.dma_semaphore, #tpu.memory_space<semaphore_mem>>
      %dma_wait3A_307 = tpu.memref_squeeze %dma_wait3A_306 : memref<1x!tpu.dma_semaphore, #tpu.memory_space<semaphore_mem>> -> memref<!tpu.dma_semaphore, #tpu.memory_space<semaphore_mem>>
      tpu.wait_indirect_dma semaphore(%dma_wait3A_307 : memref<!tpu.dma_semaphore, #tpu.memory_space<semaphore_mem>>) src(%dma_wait3A_305 : memref<8193x1024xf32, #tpu.memory_space<hbm>>) dst(%dma_wait3A_301 : memref<16x1024xf32, #tpu.memory_space<vmem>>)
      %gt3A_308 = arith.constant 0 : i32
      %gt3A_309 = arith.cmpi sgt, %scan3A_140, %gt3A_308 : i32
      %convert_element_type3A_310 = arith.extui %gt3A_309 : i1 to i32
      %cond3A_311 = arith.constant 0 : i32
      %cond3A_312 = arith.cmpi ne, %convert_element_type3A_310, %cond3A_311 : i32
      scf.if %cond3A_312 {
        %sub3A_423 = arith.constant 4 : i32
        %sub3A_424 = arith.subi %add3A_266, %sub3A_423 : i32
        %mul3A_425 = arith.constant 16 : i32
        %mul3A_426 = arith.muli %sub3A_424, %mul3A_425 : i32
        %multiple_of3A_427 = tpu.assume_multiple %mul3A_426, 16 : i32
        %add3A_428 = arith.addi %mul3A_2, %multiple_of3A_427 : i32
        %dma_wait3A_429 = arith.constant 1 : i32
        %dma_wait3A_430 = arith.constant 1 : i32
        %dma_wait3A_431 = tpu.memref_slice %arg11[%dma_wait3A_430] : memref<3x!tpu.dma_semaphore, #tpu.memory_space<semaphore_mem>> -> memref<1x!tpu.dma_semaphore, #tpu.memory_space<semaphore_mem>>
        %dma_wait3A_432 = tpu.memref_squeeze %dma_wait3A_431 : memref<1x!tpu.dma_semaphore, #tpu.memory_space<semaphore_mem>> -> memref<!tpu.dma_semaphore, #tpu.memory_space<semaphore_mem>>
        %dma_wait3A_433 = arith.constant 0 : i32
        %dma_wait3A_434 = tpu.memref_slice %arg4[%add3A_428, %dma_wait3A_433] : memref<32768x1024xf32, #tpu.memory_space<hbm>> -> memref<16x1024xf32, #tpu.memory_space<hbm>>
        %dma_wait3A_435 = arith.constant 0 : i32
        %dma_wait3A_436 = arith.constant 0 : i32
        %dma_wait3A_437 = tpu.memref_slice %arg7[%arg1, %dma_wait3A_429, %dma_wait3A_435, %dma_wait3A_436] : memref<16x3x16x1024xf32, #tpu.memory_space<vmem_shared>> -> memref<1x1x16x1024xf32, #tpu.memory_space<vmem_shared>>
        %dma_wait3A_438 = tpu.memref_squeeze %dma_wait3A_437 : memref<1x1x16x1024xf32, #tpu.memory_space<vmem_shared>> -> memref<16x1024xf32, #tpu.memory_space<vmem_shared>>
        tpu.wait_dma2 semaphore(%dma_wait3A_432 : memref<!tpu.dma_semaphore, #tpu.memory_space<semaphore_mem>>) src(%dma_wait3A_438 : memref<16x1024xf32, #tpu.memory_space<vmem_shared>>) dst(%dma_wait3A_434 : memref<16x1024xf32, #tpu.memory_space<hbm>>)
      } else {
      }
      %dma_start3A_313 = arith.constant 2 : i32
      %dma_start3A_314 = arith.constant 1 : i32
      %dma_start3A_315 = arith.constant 1 : i32
      %dma_start3A_316 = arith.constant 0 : i32
      %dma_start3A_317 = arith.constant 0 : i32
      %dma_start3A_318 = tpu.memref_slice %arg6[%dma_start3A_313, %dma_start3A_316, %dma_start3A_317] : memref<4x16x1024xf32, #tpu.memory_space<vmem>> -> memref<1x16x1024xf32, #tpu.memory_space<vmem>>
      %dma_start3A_319 = tpu.memref_squeeze %dma_start3A_318 : memref<1x16x1024xf32, #tpu.memory_space<vmem>> -> memref<16x1024xf32, #tpu.memory_space<vmem>>
      %dma_start3A_320 = arith.constant 0 : i32
      %dma_start3A_321 = arith.constant 0 : i32
      %dma_start3A_322 = tpu.memref_slice %arg7[%arg1, %dma_start3A_314, %dma_start3A_320, %dma_start3A_321] : memref<16x3x16x1024xf32, #tpu.memory_space<vmem_shared>> -> memref<1x1x16x1024xf32, #tpu.memory_space<vmem_shared>>
      %dma_start3A_323 = tpu.memref_squeeze %dma_start3A_322 : memref<1x1x16x1024xf32, #tpu.memory_space<vmem_shared>> -> memref<16x1024xf32, #tpu.memory_space<vmem_shared>>
      %dma_start3A_324 = tpu.memref_slice %arg10[%dma_start3A_315] : memref<3x!tpu.dma_semaphore, #tpu.memory_space<semaphore_mem>> -> memref<1x!tpu.dma_semaphore, #tpu.memory_space<semaphore_mem>>
      %dma_start3A_325 = tpu.memref_squeeze %dma_start3A_324 : memref<1x!tpu.dma_semaphore, #tpu.memory_space<semaphore_mem>> -> memref<!tpu.dma_semaphore, #tpu.memory_space<semaphore_mem>>
      %dma_start3A_326 = arith.constant 0 : i32
      %dma_start3A_327 = arith.constant 0 : i32
      %dma_start3A_328 = tpu.memref_slice %arg7[%arg1, %dma_start3A_314, %dma_start3A_326, %dma_start3A_327] : memref<16x3x16x1024xf32, #tpu.memory_space<vmem_shared>> -> memref<1x1x16x1024xf32, #tpu.memory_space<vmem_shared>>
      %dma_start3A_329 = tpu.memref_squeeze %dma_start3A_328 : memref<1x1x16x1024xf32, #tpu.memory_space<vmem_shared>> -> memref<16x1024xf32, #tpu.memory_space<vmem_shared>>
      %dma_start3A_330 = arith.constant 0 : i32
      %dma_start3A_331 = arith.constant 0 : i32
      %dma_start3A_332 = tpu.memref_slice %arg6[%dma_start3A_313, %dma_start3A_330, %dma_start3A_331] : memref<4x16x1024xf32, #tpu.memory_space<vmem>> -> memref<1x16x1024xf32, #tpu.memory_space<vmem>>
      %dma_start3A_333 = tpu.memref_squeeze %dma_start3A_332 : memref<1x16x1024xf32, #tpu.memory_space<vmem>> -> memref<16x1024xf32, #tpu.memory_space<vmem>>
      tpu.enqueue_dma source(%dma_start3A_333 : memref<16x1024xf32, #tpu.memory_space<vmem>>) target(%dma_start3A_329 : memref<16x1024xf32, #tpu.memory_space<vmem_shared>>) target_semaphore(%dma_start3A_325 : memref<!tpu.dma_semaphore, #tpu.memory_space<semaphore_mem>>)
      %mul3A_334 = arith.constant 4 : i32
      %mul3A_335 = arith.muli %scan3A_140, %mul3A_334 : i32
      %add3A_336 = arith.constant 3 : i32
      %add3A_337 = arith.addi %mul3A_335, %add3A_336 : i32
      %dma_wait3A_338 = arith.constant 1 : i32
      %dma_wait3A_339 = arith.constant 0 : i32
      %dma_wait3A_340 = arith.constant 0 : i32
      %dma_wait3A_341 = arith.constant 0 : i32
      %dma_wait3A_342 = arith.constant 0 : i32
      %dma_wait3A_343 = tpu.memref_slice %arg6[%dma_wait3A_338, %dma_wait3A_341, %dma_wait3A_342] : memref<4x16x1024xf32, #tpu.memory_space<vmem>> -> memref<1x16x1024xf32, #tpu.memory_space<vmem>>
      %dma_wait3A_344 = tpu.memref_squeeze %dma_wait3A_343 : memref<1x16x1024xf32, #tpu.memory_space<vmem>> -> memref<16x1024xf32, #tpu.memory_space<vmem>>
      %dma_wait3A_345 = arith.constant 0 : i32
      %dma_wait3A_346 = arith.constant 0 : i32
      %dma_wait3A_347 = tpu.memref_slice %arg7[%arg1, %dma_wait3A_339, %dma_wait3A_345, %dma_wait3A_346] : memref<16x3x16x1024xf32, #tpu.memory_space<vmem_shared>> -> memref<1x1x16x1024xf32, #tpu.memory_space<vmem_shared>>
      %dma_wait3A_348 = tpu.memref_squeeze %dma_wait3A_347 : memref<1x1x16x1024xf32, #tpu.memory_space<vmem_shared>> -> memref<16x1024xf32, #tpu.memory_space<vmem_shared>>
      %dma_wait3A_349 = tpu.memref_slice %arg10[%dma_wait3A_340] : memref<3x!tpu.dma_semaphore, #tpu.memory_space<semaphore_mem>> -> memref<1x!tpu.dma_semaphore, #tpu.memory_space<semaphore_mem>>
      %dma_wait3A_350 = tpu.memref_squeeze %dma_wait3A_349 : memref<1x!tpu.dma_semaphore, #tpu.memory_space<semaphore_mem>> -> memref<!tpu.dma_semaphore, #tpu.memory_space<semaphore_mem>>
      %dma_wait3A_351 = arith.constant 0 : i32
      %dma_wait3A_352 = arith.constant 0 : i32
      %dma_wait3A_353 = tpu.memref_slice %arg7[%arg1, %dma_wait3A_339, %dma_wait3A_351, %dma_wait3A_352] : memref<16x3x16x1024xf32, #tpu.memory_space<vmem_shared>> -> memref<1x1x16x1024xf32, #tpu.memory_space<vmem_shared>>
      %dma_wait3A_354 = tpu.memref_squeeze %dma_wait3A_353 : memref<1x1x16x1024xf32, #tpu.memory_space<vmem_shared>> -> memref<16x1024xf32, #tpu.memory_space<vmem_shared>>
      %dma_wait3A_355 = arith.constant 0 : i32
      %dma_wait3A_356 = arith.constant 0 : i32
      %dma_wait3A_357 = tpu.memref_slice %arg6[%dma_wait3A_338, %dma_wait3A_355, %dma_wait3A_356] : memref<4x16x1024xf32, #tpu.memory_space<vmem>> -> memref<1x16x1024xf32, #tpu.memory_space<vmem>>
      %dma_wait3A_358 = tpu.memref_squeeze %dma_wait3A_357 : memref<1x16x1024xf32, #tpu.memory_space<vmem>> -> memref<16x1024xf32, #tpu.memory_space<vmem>>
      tpu.wait_dma2 semaphore(%dma_wait3A_350 : memref<!tpu.dma_semaphore, #tpu.memory_space<semaphore_mem>>) src(%dma_wait3A_358 : memref<16x1024xf32, #tpu.memory_space<vmem>>) dst(%dma_wait3A_354 : memref<16x1024xf32, #tpu.memory_space<vmem_shared>>)
      %sub3A_359 = arith.constant 2 : i32
      %sub3A_360 = arith.subi %add3A_337, %sub3A_359 : i32
      %mul3A_361 = arith.constant 16 : i32
      %mul3A_362 = arith.muli %sub3A_360, %mul3A_361 : i32
      %multiple_of3A_363 = tpu.assume_multiple %mul3A_362, 16 : i32
      %add3A_364 = arith.addi %mul3A_2, %multiple_of3A_363 : i32
      %dma_start3A_365 = arith.constant 0 : i32
      %dma_start3A_366 = arith.constant 0 : i32
      %dma_start3A_367 = tpu.memref_slice %arg11[%dma_start3A_366] : memref<3x!tpu.dma_semaphore, #tpu.memory_space<semaphore_mem>> -> memref<1x!tpu.dma_semaphore, #tpu.memory_space<semaphore_mem>>
      %dma_start3A_368 = tpu.memref_squeeze %dma_start3A_367 : memref<1x!tpu.dma_semaphore, #tpu.memory_space<semaphore_mem>> -> memref<!tpu.dma_semaphore, #tpu.memory_space<semaphore_mem>>
      %dma_start3A_369 = arith.constant 0 : i32
      %dma_start3A_370 = tpu.memref_slice %arg4[%add3A_364, %dma_start3A_369] : memref<32768x1024xf32, #tpu.memory_space<hbm>> -> memref<16x1024xf32, #tpu.memory_space<hbm>>
      %dma_start3A_371 = arith.constant 0 : i32
      %dma_start3A_372 = arith.constant 0 : i32
      %dma_start3A_373 = tpu.memref_slice %arg7[%arg1, %dma_start3A_365, %dma_start3A_371, %dma_start3A_372] : memref<16x3x16x1024xf32, #tpu.memory_space<vmem_shared>> -> memref<1x1x16x1024xf32, #tpu.memory_space<vmem_shared>>
      %dma_start3A_374 = tpu.memref_squeeze %dma_start3A_373 : memref<1x1x16x1024xf32, #tpu.memory_space<vmem_shared>> -> memref<16x1024xf32, #tpu.memory_space<vmem_shared>>
      tpu.enqueue_dma source(%dma_start3A_374 : memref<16x1024xf32, #tpu.memory_space<vmem_shared>>) target(%dma_start3A_370 : memref<16x1024xf32, #tpu.memory_space<hbm>>) target_semaphore(%dma_start3A_368 : memref<!tpu.dma_semaphore, #tpu.memory_space<semaphore_mem>>)
      %add3A_375 = arith.constant 2 : i32
      %add3A_376 = arith.addi %add3A_337, %add3A_375 : i32
      %lt3A_377 = arith.constant 64 : i32
      %lt3A_378 = arith.cmpi slt, %add3A_376, %lt3A_377 : i32
      %convert_element_type3A_379 = arith.extui %lt3A_378 : i1 to i32
      %cond3A_380 = arith.constant 0 : i32
      %cond3A_381 = arith.cmpi ne, %convert_element_type3A_379, %cond3A_380 : i32
      scf.if %cond3A_381 {
        %add3A_423 = arith.constant 2 : i32
        %add3A_424 = arith.addi %add3A_337, %add3A_423 : i32
        %mul3A_425 = arith.constant 16 : i32
        %mul3A_426 = arith.muli %add3A_424, %mul3A_425 : i32
        %multiple_of3A_427 = tpu.assume_multiple %mul3A_426, 16 : i32
        %dma_start3A_428 = arith.constant 1 : i32
        %dma_start3A_429 = arith.constant 1 : i32
        %dma_start3A_430 = arith.constant 0 : i32
        %dma_start3A_431 = arith.constant 0 : i32
        %dma_start3A_432 = tpu.memref_slice %arg6[%dma_start3A_428, %dma_start3A_430, %dma_start3A_431] : memref<4x16x1024xf32, #tpu.memory_space<vmem>> -> memref<1x16x1024xf32, #tpu.memory_space<vmem>>
        %dma_start3A_433 = tpu.memref_squeeze %dma_start3A_432 : memref<1x16x1024xf32, #tpu.memory_space<vmem>> -> memref<16x1024xf32, #tpu.memory_space<vmem>>
        %dma_start3A_434 = tpu.memref_slice %arg5[%multiple_of3A_427] : memref<1024xi32, #tpu.memory_space<vmem>> -> memref<16xi32, #tpu.memory_space<vmem>>
        %dma_start3A_435 = arith.constant 0 : i32
        %dma_start3A_436 = arith.constant 0 : i32
        %dma_start3A_437 = tpu.memref_slice %arg3[%dma_start3A_435, %dma_start3A_436] : memref<8193x1024xf32, #tpu.memory_space<hbm>> -> memref<8193x1024xf32, #tpu.memory_space<hbm>>
        %dma_start3A_438 = tpu.memref_slice %arg8[%dma_start3A_429] : memref<4x!tpu.dma_semaphore, #tpu.memory_space<semaphore_mem>> -> memref<1x!tpu.dma_semaphore, #tpu.memory_space<semaphore_mem>>
        %dma_start3A_439 = tpu.memref_squeeze %dma_start3A_438 : memref<1x!tpu.dma_semaphore, #tpu.memory_space<semaphore_mem>> -> memref<!tpu.dma_semaphore, #tpu.memory_space<semaphore_mem>>
        tpu.enqueue_indirect_dma source(%dma_start3A_437 : memref<8193x1024xf32, #tpu.memory_space<hbm>>) target(%dma_start3A_433 : memref<16x1024xf32, #tpu.memory_space<vmem>>) offsets(%dma_start3A_434 : memref<16xi32, #tpu.memory_space<vmem>>) semaphore(%dma_start3A_439 : memref<!tpu.dma_semaphore, #tpu.memory_space<semaphore_mem>>)
      } else {
      }
      %mul3A_382 = arith.constant 16 : i32
      %mul3A_383 = arith.muli %add3A_337, %mul3A_382 : i32
      %multiple_of3A_384 = tpu.assume_multiple %mul3A_383, 16 : i32
      %dma_wait3A_385 = arith.constant 3 : i32
      %dma_wait3A_386 = arith.constant 3 : i32
      %dma_wait3A_387 = arith.constant 0 : i32
      %dma_wait3A_388 = arith.constant 0 : i32
      %dma_wait3A_389 = tpu.memref_slice %arg6[%dma_wait3A_385, %dma_wait3A_387, %dma_wait3A_388] : memref<4x16x1024xf32, #tpu.memory_space<vmem>> -> memref<1x16x1024xf32, #tpu.memory_space<vmem>>
      %dma_wait3A_390 = tpu.memref_squeeze %dma_wait3A_389 : memref<1x16x1024xf32, #tpu.memory_space<vmem>> -> memref<16x1024xf32, #tpu.memory_space<vmem>>
      %dma_wait3A_391 = tpu.memref_slice %arg5[%multiple_of3A_384] : memref<1024xi32, #tpu.memory_space<vmem>> -> memref<16xi32, #tpu.memory_space<vmem>>
      %dma_wait3A_392 = arith.constant 0 : i32
      %dma_wait3A_393 = arith.constant 0 : i32
      %dma_wait3A_394 = tpu.memref_slice %arg3[%dma_wait3A_392, %dma_wait3A_393] : memref<8193x1024xf32, #tpu.memory_space<hbm>> -> memref<8193x1024xf32, #tpu.memory_space<hbm>>
      %dma_wait3A_395 = tpu.memref_slice %arg8[%dma_wait3A_386] : memref<4x!tpu.dma_semaphore, #tpu.memory_space<semaphore_mem>> -> memref<1x!tpu.dma_semaphore, #tpu.memory_space<semaphore_mem>>
      %dma_wait3A_396 = tpu.memref_squeeze %dma_wait3A_395 : memref<1x!tpu.dma_semaphore, #tpu.memory_space<semaphore_mem>> -> memref<!tpu.dma_semaphore, #tpu.memory_space<semaphore_mem>>
      tpu.wait_indirect_dma semaphore(%dma_wait3A_396 : memref<!tpu.dma_semaphore, #tpu.memory_space<semaphore_mem>>) src(%dma_wait3A_394 : memref<8193x1024xf32, #tpu.memory_space<hbm>>) dst(%dma_wait3A_390 : memref<16x1024xf32, #tpu.memory_space<vmem>>)
      %gt3A_397 = arith.constant 0 : i32
      %gt3A_398 = arith.cmpi sgt, %scan3A_140, %gt3A_397 : i32
      %convert_element_type3A_399 = arith.extui %gt3A_398 : i1 to i32
      %cond3A_400 = arith.constant 0 : i32
      %cond3A_401 = arith.cmpi ne, %convert_element_type3A_399, %cond3A_400 : i32
      scf.if %cond3A_401 {
        %sub3A_423 = arith.constant 4 : i32
        %sub3A_424 = arith.subi %add3A_337, %sub3A_423 : i32
        %mul3A_425 = arith.constant 16 : i32
        %mul3A_426 = arith.muli %sub3A_424, %mul3A_425 : i32
        %multiple_of3A_427 = tpu.assume_multiple %mul3A_426, 16 : i32
        %add3A_428 = arith.addi %mul3A_2, %multiple_of3A_427 : i32
        %dma_wait3A_429 = arith.constant 2 : i32
        %dma_wait3A_430 = arith.constant 2 : i32
        %dma_wait3A_431 = tpu.memref_slice %arg11[%dma_wait3A_430] : memref<3x!tpu.dma_semaphore, #tpu.memory_space<semaphore_mem>> -> memref<1x!tpu.dma_semaphore, #tpu.memory_space<semaphore_mem>>
        %dma_wait3A_432 = tpu.memref_squeeze %dma_wait3A_431 : memref<1x!tpu.dma_semaphore, #tpu.memory_space<semaphore_mem>> -> memref<!tpu.dma_semaphore, #tpu.memory_space<semaphore_mem>>
        %dma_wait3A_433 = arith.constant 0 : i32
        %dma_wait3A_434 = tpu.memref_slice %arg4[%add3A_428, %dma_wait3A_433] : memref<32768x1024xf32, #tpu.memory_space<hbm>> -> memref<16x1024xf32, #tpu.memory_space<hbm>>
        %dma_wait3A_435 = arith.constant 0 : i32
        %dma_wait3A_436 = arith.constant 0 : i32
        %dma_wait3A_437 = tpu.memref_slice %arg7[%arg1, %dma_wait3A_429, %dma_wait3A_435, %dma_wait3A_436] : memref<16x3x16x1024xf32, #tpu.memory_space<vmem_shared>> -> memref<1x1x16x1024xf32, #tpu.memory_space<vmem_shared>>
        %dma_wait3A_438 = tpu.memref_squeeze %dma_wait3A_437 : memref<1x1x16x1024xf32, #tpu.memory_space<vmem_shared>> -> memref<16x1024xf32, #tpu.memory_space<vmem_shared>>
        tpu.wait_dma2 semaphore(%dma_wait3A_432 : memref<!tpu.dma_semaphore, #tpu.memory_space<semaphore_mem>>) src(%dma_wait3A_438 : memref<16x1024xf32, #tpu.memory_space<vmem_shared>>) dst(%dma_wait3A_434 : memref<16x1024xf32, #tpu.memory_space<hbm>>)
      } else {
      }
      %dma_start3A_402 = arith.constant 3 : i32
      %dma_start3A_403 = arith.constant 2 : i32
      %dma_start3A_404 = arith.constant 2 : i32
      %dma_start3A_405 = arith.constant 0 : i32
      %dma_start3A_406 = arith.constant 0 : i32
      %dma_start3A_407 = tpu.memref_slice %arg6[%dma_start3A_402, %dma_start3A_405, %dma_start3A_406] : memref<4x16x1024xf32, #tpu.memory_space<vmem>> -> memref<1x16x1024xf32, #tpu.memory_space<vmem>>
      %dma_start3A_408 = tpu.memref_squeeze %dma_start3A_407 : memref<1x16x1024xf32, #tpu.memory_space<vmem>> -> memref<16x1024xf32, #tpu.memory_space<vmem>>
      %dma_start3A_409 = arith.constant 0 : i32
      %dma_start3A_410 = arith.constant 0 : i32
      %dma_start3A_411 = tpu.memref_slice %arg7[%arg1, %dma_start3A_403, %dma_start3A_409, %dma_start3A_410] : memref<16x3x16x1024xf32, #tpu.memory_space<vmem_shared>> -> memref<1x1x16x1024xf32, #tpu.memory_space<vmem_shared>>
      %dma_start3A_412 = tpu.memref_squeeze %dma_start3A_411 : memref<1x1x16x1024xf32, #tpu.memory_space<vmem_shared>> -> memref<16x1024xf32, #tpu.memory_space<vmem_shared>>
      %dma_start3A_413 = tpu.memref_slice %arg10[%dma_start3A_404] : memref<3x!tpu.dma_semaphore, #tpu.memory_space<semaphore_mem>> -> memref<1x!tpu.dma_semaphore, #tpu.memory_space<semaphore_mem>>
      %dma_start3A_414 = tpu.memref_squeeze %dma_start3A_413 : memref<1x!tpu.dma_semaphore, #tpu.memory_space<semaphore_mem>> -> memref<!tpu.dma_semaphore, #tpu.memory_space<semaphore_mem>>
      %dma_start3A_415 = arith.constant 0 : i32
      %dma_start3A_416 = arith.constant 0 : i32
      %dma_start3A_417 = tpu.memref_slice %arg7[%arg1, %dma_start3A_403, %dma_start3A_415, %dma_start3A_416] : memref<16x3x16x1024xf32, #tpu.memory_space<vmem_shared>> -> memref<1x1x16x1024xf32, #tpu.memory_space<vmem_shared>>
      %dma_start3A_418 = tpu.memref_squeeze %dma_start3A_417 : memref<1x1x16x1024xf32, #tpu.memory_space<vmem_shared>> -> memref<16x1024xf32, #tpu.memory_space<vmem_shared>>
      %dma_start3A_419 = arith.constant 0 : i32
      %dma_start3A_420 = arith.constant 0 : i32
      %dma_start3A_421 = tpu.memref_slice %arg6[%dma_start3A_402, %dma_start3A_419, %dma_start3A_420] : memref<4x16x1024xf32, #tpu.memory_space<vmem>> -> memref<1x16x1024xf32, #tpu.memory_space<vmem>>
      %dma_start3A_422 = tpu.memref_squeeze %dma_start3A_421 : memref<1x16x1024xf32, #tpu.memory_space<vmem>> -> memref<16x1024xf32, #tpu.memory_space<vmem>>
      tpu.enqueue_dma source(%dma_start3A_422 : memref<16x1024xf32, #tpu.memory_space<vmem>>) target(%dma_start3A_418 : memref<16x1024xf32, #tpu.memory_space<vmem_shared>>) target_semaphore(%dma_start3A_414 : memref<!tpu.dma_semaphore, #tpu.memory_space<semaphore_mem>>)
    }
    %scan3A_33 = arith.constant 16 : i32
    %dma_wait3A = arith.constant 2 : i32
    %dma_wait3A_34 = arith.constant 1 : i32
    %dma_wait3A_35 = arith.constant 1 : i32
    %dma_wait3A_36 = arith.constant 0 : i32
    %dma_wait3A_37 = arith.constant 0 : i32
    %dma_wait3A_38 = tpu.memref_slice %arg6[%dma_wait3A, %dma_wait3A_36, %dma_wait3A_37] : memref<4x16x1024xf32, #tpu.memory_space<vmem>> -> memref<1x16x1024xf32, #tpu.memory_space<vmem>>
    %dma_wait3A_39 = tpu.memref_squeeze %dma_wait3A_38 : memref<1x16x1024xf32, #tpu.memory_space<vmem>> -> memref<16x1024xf32, #tpu.memory_space<vmem>>
    %dma_wait3A_40 = arith.constant 0 : i32
    %dma_wait3A_41 = arith.constant 0 : i32
    %dma_wait3A_42 = tpu.memref_slice %arg7[%arg1, %dma_wait3A_34, %dma_wait3A_40, %dma_wait3A_41] : memref<16x3x16x1024xf32, #tpu.memory_space<vmem_shared>> -> memref<1x1x16x1024xf32, #tpu.memory_space<vmem_shared>>
    %dma_wait3A_43 = tpu.memref_squeeze %dma_wait3A_42 : memref<1x1x16x1024xf32, #tpu.memory_space<vmem_shared>> -> memref<16x1024xf32, #tpu.memory_space<vmem_shared>>
    %dma_wait3A_44 = tpu.memref_slice %arg10[%dma_wait3A_35] : memref<3x!tpu.dma_semaphore, #tpu.memory_space<semaphore_mem>> -> memref<1x!tpu.dma_semaphore, #tpu.memory_space<semaphore_mem>>
    %dma_wait3A_45 = tpu.memref_squeeze %dma_wait3A_44 : memref<1x!tpu.dma_semaphore, #tpu.memory_space<semaphore_mem>> -> memref<!tpu.dma_semaphore, #tpu.memory_space<semaphore_mem>>
    %dma_wait3A_46 = arith.constant 0 : i32
    %dma_wait3A_47 = arith.constant 0 : i32
    %dma_wait3A_48 = tpu.memref_slice %arg7[%arg1, %dma_wait3A_34, %dma_wait3A_46, %dma_wait3A_47] : memref<16x3x16x1024xf32, #tpu.memory_space<vmem_shared>> -> memref<1x1x16x1024xf32, #tpu.memory_space<vmem_shared>>
    %dma_wait3A_49 = tpu.memref_squeeze %dma_wait3A_48 : memref<1x1x16x1024xf32, #tpu.memory_space<vmem_shared>> -> memref<16x1024xf32, #tpu.memory_space<vmem_shared>>
    %dma_wait3A_50 = arith.constant 0 : i32
    %dma_wait3A_51 = arith.constant 0 : i32
    %dma_wait3A_52 = tpu.memref_slice %arg6[%dma_wait3A, %dma_wait3A_50, %dma_wait3A_51] : memref<4x16x1024xf32, #tpu.memory_space<vmem>> -> memref<1x16x1024xf32, #tpu.memory_space<vmem>>
    %dma_wait3A_53 = tpu.memref_squeeze %dma_wait3A_52 : memref<1x16x1024xf32, #tpu.memory_space<vmem>> -> memref<16x1024xf32, #tpu.memory_space<vmem>>
    tpu.wait_dma2 semaphore(%dma_wait3A_45 : memref<!tpu.dma_semaphore, #tpu.memory_space<semaphore_mem>>) src(%dma_wait3A_53 : memref<16x1024xf32, #tpu.memory_space<vmem>>) dst(%dma_wait3A_49 : memref<16x1024xf32, #tpu.memory_space<vmem_shared>>)
    %multiple_of3A_54 = arith.constant 992 : i32
    %multiple_of3A_55 = tpu.assume_multiple %multiple_of3A_54, 16 : i32
    %add3A_56 = arith.addi %mul3A_2, %multiple_of3A_55 : i32
    %dma_start3A_57 = arith.constant 1 : i32
    %dma_start3A_58 = arith.constant 1 : i32
    %dma_start3A_59 = tpu.memref_slice %arg11[%dma_start3A_58] : memref<3x!tpu.dma_semaphore, #tpu.memory_space<semaphore_mem>> -> memref<1x!tpu.dma_semaphore, #tpu.memory_space<semaphore_mem>>
    %dma_start3A_60 = tpu.memref_squeeze %dma_start3A_59 : memref<1x!tpu.dma_semaphore, #tpu.memory_space<semaphore_mem>> -> memref<!tpu.dma_semaphore, #tpu.memory_space<semaphore_mem>>
    %dma_start3A_61 = arith.constant 0 : i32
    %dma_start3A_62 = tpu.memref_slice %arg4[%add3A_56, %dma_start3A_61] : memref<32768x1024xf32, #tpu.memory_space<hbm>> -> memref<16x1024xf32, #tpu.memory_space<hbm>>
    %dma_start3A_63 = arith.constant 0 : i32
    %dma_start3A_64 = arith.constant 0 : i32
    %dma_start3A_65 = tpu.memref_slice %arg7[%arg1, %dma_start3A_57, %dma_start3A_63, %dma_start3A_64] : memref<16x3x16x1024xf32, #tpu.memory_space<vmem_shared>> -> memref<1x1x16x1024xf32, #tpu.memory_space<vmem_shared>>
    %dma_start3A_66 = tpu.memref_squeeze %dma_start3A_65 : memref<1x1x16x1024xf32, #tpu.memory_space<vmem_shared>> -> memref<16x1024xf32, #tpu.memory_space<vmem_shared>>
    tpu.enqueue_dma source(%dma_start3A_66 : memref<16x1024xf32, #tpu.memory_space<vmem_shared>>) target(%dma_start3A_62 : memref<16x1024xf32, #tpu.memory_space<hbm>>) target_semaphore(%dma_start3A_60 : memref<!tpu.dma_semaphore, #tpu.memory_space<semaphore_mem>>)
    %dma_wait3A_67 = arith.constant 3 : i32
    %dma_wait3A_68 = arith.constant 2 : i32
    %dma_wait3A_69 = arith.constant 2 : i32
    %dma_wait3A_70 = arith.constant 0 : i32
    %dma_wait3A_71 = arith.constant 0 : i32
    %dma_wait3A_72 = tpu.memref_slice %arg6[%dma_wait3A_67, %dma_wait3A_70, %dma_wait3A_71] : memref<4x16x1024xf32, #tpu.memory_space<vmem>> -> memref<1x16x1024xf32, #tpu.memory_space<vmem>>
    %dma_wait3A_73 = tpu.memref_squeeze %dma_wait3A_72 : memref<1x16x1024xf32, #tpu.memory_space<vmem>> -> memref<16x1024xf32, #tpu.memory_space<vmem>>
    %dma_wait3A_74 = arith.constant 0 : i32
    %dma_wait3A_75 = arith.constant 0 : i32
    %dma_wait3A_76 = tpu.memref_slice %arg7[%arg1, %dma_wait3A_68, %dma_wait3A_74, %dma_wait3A_75] : memref<16x3x16x1024xf32, #tpu.memory_space<vmem_shared>> -> memref<1x1x16x1024xf32, #tpu.memory_space<vmem_shared>>
    %dma_wait3A_77 = tpu.memref_squeeze %dma_wait3A_76 : memref<1x1x16x1024xf32, #tpu.memory_space<vmem_shared>> -> memref<16x1024xf32, #tpu.memory_space<vmem_shared>>
    %dma_wait3A_78 = tpu.memref_slice %arg10[%dma_wait3A_69] : memref<3x!tpu.dma_semaphore, #tpu.memory_space<semaphore_mem>> -> memref<1x!tpu.dma_semaphore, #tpu.memory_space<semaphore_mem>>
    %dma_wait3A_79 = tpu.memref_squeeze %dma_wait3A_78 : memref<1x!tpu.dma_semaphore, #tpu.memory_space<semaphore_mem>> -> memref<!tpu.dma_semaphore, #tpu.memory_space<semaphore_mem>>
    %dma_wait3A_80 = arith.constant 0 : i32
    %dma_wait3A_81 = arith.constant 0 : i32
    %dma_wait3A_82 = tpu.memref_slice %arg7[%arg1, %dma_wait3A_68, %dma_wait3A_80, %dma_wait3A_81] : memref<16x3x16x1024xf32, #tpu.memory_space<vmem_shared>> -> memref<1x1x16x1024xf32, #tpu.memory_space<vmem_shared>>
    %dma_wait3A_83 = tpu.memref_squeeze %dma_wait3A_82 : memref<1x1x16x1024xf32, #tpu.memory_space<vmem_shared>> -> memref<16x1024xf32, #tpu.memory_space<vmem_shared>>
    %dma_wait3A_84 = arith.constant 0 : i32
    %dma_wait3A_85 = arith.constant 0 : i32
    %dma_wait3A_86 = tpu.memref_slice %arg6[%dma_wait3A_67, %dma_wait3A_84, %dma_wait3A_85] : memref<4x16x1024xf32, #tpu.memory_space<vmem>> -> memref<1x16x1024xf32, #tpu.memory_space<vmem>>
    %dma_wait3A_87 = tpu.memref_squeeze %dma_wait3A_86 : memref<1x16x1024xf32, #tpu.memory_space<vmem>> -> memref<16x1024xf32, #tpu.memory_space<vmem>>
    tpu.wait_dma2 semaphore(%dma_wait3A_79 : memref<!tpu.dma_semaphore, #tpu.memory_space<semaphore_mem>>) src(%dma_wait3A_87 : memref<16x1024xf32, #tpu.memory_space<vmem>>) dst(%dma_wait3A_83 : memref<16x1024xf32, #tpu.memory_space<vmem_shared>>)
    %multiple_of3A_88 = arith.constant 1008 : i32
    %multiple_of3A_89 = tpu.assume_multiple %multiple_of3A_88, 16 : i32
    %add3A_90 = arith.addi %mul3A_2, %multiple_of3A_89 : i32
    %dma_start3A_91 = arith.constant 2 : i32
    %dma_start3A_92 = arith.constant 2 : i32
    %dma_start3A_93 = tpu.memref_slice %arg11[%dma_start3A_92] : memref<3x!tpu.dma_semaphore, #tpu.memory_space<semaphore_mem>> -> memref<1x!tpu.dma_semaphore, #tpu.memory_space<semaphore_mem>>
    %dma_start3A_94 = tpu.memref_squeeze %dma_start3A_93 : memref<1x!tpu.dma_semaphore, #tpu.memory_space<semaphore_mem>> -> memref<!tpu.dma_semaphore, #tpu.memory_space<semaphore_mem>>
    %dma_start3A_95 = arith.constant 0 : i32
    %dma_start3A_96 = tpu.memref_slice %arg4[%add3A_90, %dma_start3A_95] : memref<32768x1024xf32, #tpu.memory_space<hbm>> -> memref<16x1024xf32, #tpu.memory_space<hbm>>
    %dma_start3A_97 = arith.constant 0 : i32
    %dma_start3A_98 = arith.constant 0 : i32
    %dma_start3A_99 = tpu.memref_slice %arg7[%arg1, %dma_start3A_91, %dma_start3A_97, %dma_start3A_98] : memref<16x3x16x1024xf32, #tpu.memory_space<vmem_shared>> -> memref<1x1x16x1024xf32, #tpu.memory_space<vmem_shared>>
    %dma_start3A_100 = tpu.memref_squeeze %dma_start3A_99 : memref<1x1x16x1024xf32, #tpu.memory_space<vmem_shared>> -> memref<16x1024xf32, #tpu.memory_space<vmem_shared>>
    tpu.enqueue_dma source(%dma_start3A_100 : memref<16x1024xf32, #tpu.memory_space<vmem_shared>>) target(%dma_start3A_96 : memref<16x1024xf32, #tpu.memory_space<hbm>>) target_semaphore(%dma_start3A_94 : memref<!tpu.dma_semaphore, #tpu.memory_space<semaphore_mem>>)
    %multiple_of3A_101 = arith.constant 976 : i32
    %multiple_of3A_102 = tpu.assume_multiple %multiple_of3A_101, 16 : i32
    %add3A_103 = arith.addi %mul3A_2, %multiple_of3A_102 : i32
    %dma_wait3A_104 = arith.constant 0 : i32
    %dma_wait3A_105 = arith.constant 0 : i32
    %dma_wait3A_106 = tpu.memref_slice %arg11[%dma_wait3A_105] : memref<3x!tpu.dma_semaphore, #tpu.memory_space<semaphore_mem>> -> memref<1x!tpu.dma_semaphore, #tpu.memory_space<semaphore_mem>>
    %dma_wait3A_107 = tpu.memref_squeeze %dma_wait3A_106 : memref<1x!tpu.dma_semaphore, #tpu.memory_space<semaphore_mem>> -> memref<!tpu.dma_semaphore, #tpu.memory_space<semaphore_mem>>
    %dma_wait3A_108 = arith.constant 0 : i32
    %dma_wait3A_109 = tpu.memref_slice %arg4[%add3A_103, %dma_wait3A_108] : memref<32768x1024xf32, #tpu.memory_space<hbm>> -> memref<16x1024xf32, #tpu.memory_space<hbm>>
    %dma_wait3A_110 = arith.constant 0 : i32
    %dma_wait3A_111 = arith.constant 0 : i32
    %dma_wait3A_112 = tpu.memref_slice %arg7[%arg1, %dma_wait3A_104, %dma_wait3A_110, %dma_wait3A_111] : memref<16x3x16x1024xf32, #tpu.memory_space<vmem_shared>> -> memref<1x1x16x1024xf32, #tpu.memory_space<vmem_shared>>
    %dma_wait3A_113 = tpu.memref_squeeze %dma_wait3A_112 : memref<1x1x16x1024xf32, #tpu.memory_space<vmem_shared>> -> memref<16x1024xf32, #tpu.memory_space<vmem_shared>>
    tpu.wait_dma2 semaphore(%dma_wait3A_107 : memref<!tpu.dma_semaphore, #tpu.memory_space<semaphore_mem>>) src(%dma_wait3A_113 : memref<16x1024xf32, #tpu.memory_space<vmem_shared>>) dst(%dma_wait3A_109 : memref<16x1024xf32, #tpu.memory_space<hbm>>)
    %multiple_of3A_114 = arith.constant 992 : i32
    %multiple_of3A_115 = tpu.assume_multiple %multiple_of3A_114, 16 : i32
    %add3A_116 = arith.addi %mul3A_2, %multiple_of3A_115 : i32
    %dma_wait3A_117 = arith.constant 1 : i32
    %dma_wait3A_118 = arith.constant 1 : i32
    %dma_wait3A_119 = tpu.memref_slice %arg11[%dma_wait3A_118] : memref<3x!tpu.dma_semaphore, #tpu.memory_space<semaphore_mem>> -> memref<1x!tpu.dma_semaphore, #tpu.memory_space<semaphore_mem>>
    %dma_wait3A_120 = tpu.memref_squeeze %dma_wait3A_119 : memref<1x!tpu.dma_semaphore, #tpu.memory_space<semaphore_mem>> -> memref<!tpu.dma_semaphore, #tpu.memory_space<semaphore_mem>>
    %dma_wait3A_121 = arith.constant 0 : i32
    %dma_wait3A_122 = tpu.memref_slice %arg4[%add3A_116, %dma_wait3A_121] : memref<32768x1024xf32, #tpu.memory_space<hbm>> -> memref<16x1024xf32, #tpu.memory_space<hbm>>
    %dma_wait3A_123 = arith.constant 0 : i32
    %dma_wait3A_124 = arith.constant 0 : i32
    %dma_wait3A_125 = tpu.memref_slice %arg7[%arg1, %dma_wait3A_117, %dma_wait3A_123, %dma_wait3A_124] : memref<16x3x16x1024xf32, #tpu.memory_space<vmem_shared>> -> memref<1x1x16x1024xf32, #tpu.memory_space<vmem_shared>>
    %dma_wait3A_126 = tpu.memref_squeeze %dma_wait3A_125 : memref<1x1x16x1024xf32, #tpu.memory_space<vmem_shared>> -> memref<16x1024xf32, #tpu.memory_space<vmem_shared>>
    tpu.wait_dma2 semaphore(%dma_wait3A_120 : memref<!tpu.dma_semaphore, #tpu.memory_space<semaphore_mem>>) src(%dma_wait3A_126 : memref<16x1024xf32, #tpu.memory_space<vmem_shared>>) dst(%dma_wait3A_122 : memref<16x1024xf32, #tpu.memory_space<hbm>>)
    %multiple_of3A_127 = arith.constant 1008 : i32
    %multiple_of3A_128 = tpu.assume_multiple %multiple_of3A_127, 16 : i32
    %add3A_129 = arith.addi %mul3A_2, %multiple_of3A_128 : i32
    %dma_wait3A_130 = arith.constant 2 : i32
    %dma_wait3A_131 = arith.constant 2 : i32
    %dma_wait3A_132 = tpu.memref_slice %arg11[%dma_wait3A_131] : memref<3x!tpu.dma_semaphore, #tpu.memory_space<semaphore_mem>> -> memref<1x!tpu.dma_semaphore, #tpu.memory_space<semaphore_mem>>
    %dma_wait3A_133 = tpu.memref_squeeze %dma_wait3A_132 : memref<1x!tpu.dma_semaphore, #tpu.memory_space<semaphore_mem>> -> memref<!tpu.dma_semaphore, #tpu.memory_space<semaphore_mem>>
    %dma_wait3A_134 = arith.constant 0 : i32
    %dma_wait3A_135 = tpu.memref_slice %arg4[%add3A_129, %dma_wait3A_134] : memref<32768x1024xf32, #tpu.memory_space<hbm>> -> memref<16x1024xf32, #tpu.memory_space<hbm>>
    %dma_wait3A_136 = arith.constant 0 : i32
    %dma_wait3A_137 = arith.constant 0 : i32
    %dma_wait3A_138 = tpu.memref_slice %arg7[%arg1, %dma_wait3A_130, %dma_wait3A_136, %dma_wait3A_137] : memref<16x3x16x1024xf32, #tpu.memory_space<vmem_shared>> -> memref<1x1x16x1024xf32, #tpu.memory_space<vmem_shared>>
    %dma_wait3A_139 = tpu.memref_squeeze %dma_wait3A_138 : memref<1x1x16x1024xf32, #tpu.memory_space<vmem_shared>> -> memref<16x1024xf32, #tpu.memory_space<vmem_shared>>
    tpu.wait_dma2 semaphore(%dma_wait3A_133 : memref<!tpu.dma_semaphore, #tpu.memory_space<semaphore_mem>>) src(%dma_wait3A_139 : memref<16x1024xf32, #tpu.memory_space<vmem_shared>>) dst(%dma_wait3A_135 : memref<16x1024xf32, #tpu.memory_space<hbm>>)
    return
  }
}

</mosaic_0001>

<sc_bundles>
// kernel: kernel.3.cloned.1.call-start
scs
__scs_entry_jumppad:
0x0: {  	(pc) =	sbr.rel $0x88, $3  }
0x1: {  	(tag) =	ssettag $0x0;
	lr =	simm.s32 $0x1  }
0x2: {  	[smem:$0x3F9F] =	sst lr;
	_ =	strace $0xD0000000  }
0x3: {  	_ = 	snop  }
0x4: {  	_ = 	snop  }
0x5: {  	_ = 	snop  }
0x6: {  	_ = 	snop  }
0x7: {  	_ = 	snop  }
__scs_overlays_trampoline_lowered:
0x8: {  	[smem:$0x3FAE] =	sst s0  }
0x9: {  	[smem:$0x3FAF] =	sst s1  }
0xa: {  	[smem:$0x3FB0] =	sst s2  }
0xb: {  	[smem:$0x3FB1] =	sst s3  }
0xc: {  	[smem:$0x3FB2] =	sst s4  }
0xd: {  	[smem:$0x3FB3] =	sst s5  }
0xe: {  	[smem:$0x3FB4] =	sst s6  }
0xf: {  	[smem:$0x3FB5] =	sst s7  }
0x10: {  	[smem:$0x3FB6] =	sst s8  }
0x11: {  	[smem:$0x3FB7] =	sst s9;
	s0 =	simm.s32 @!p0 $0x0  }
0x12: {  	s1 =	sld [smem:$0x3F9D];
	s0 =	simm.s32 @p0 $0x1  }
0x13: {  	[smem:$0x3FB8] =	sst s0;
	s0 =	simm.s32 @!p1 $0x0  }
0x14: {  	s2 =	sld [smem:$0x3F9C];
	s0 =	simm.s32 @p1 $0x1  }
0x15: {  	[smem:$0x3FB9] =	sst s0;
	s0 =	simm.s32 @!p2 $0x0  }
0x16: {  	s3 =	sld [smem:$0x3FDB];
	s0 =	simm.s32 @p2 $0x1  }
0x17: {  	s4 =	simm.s32 $0x1BF5;
	[smem:$0x3FBB] =	sst s0  }
0x18: {  	s0 =	sld [smem:$0x3F9E];
	_ =	swait.ge [sflag:s4], $0x0  }
0x19: {  	s7 =	sld [smem:$0x3F9F]  }
0x1a: {  	s8 =	sadd.s32 $0xFFFFE003, lr  }
0x1b: {  	s9 =	sadd.s32 $0xFFFFFEF7, lr;
	s5 =	simm.s32 $0xFFFFFFFF;
	p2 =	slt.u32 s8, $0xFFFFF086  }
0x1c: {  	p1 =	slt.u32 s9, $0xF7A;
	s5 =	simm.s32 @!p2 $0x0  }
0x1d: {  	s5 =	simm.s32 @p1 $0x1;
	p0 =	seq.s32 s7, s2  }
0x1e: {  	s7 =	smul.u32 @!p0 $0xF7A, s2;
	p2 =	seq.s32 @!p0 s5, $0x0  }
0x1f: {  	s9 =	smul.u32 $0xF7A, s1;
	s8 =	simm.s32 @!p0 $0x1BF5;
	p2 =	por !p2, p0  }
0x20: {  	[sflag:s8] =	ssyncset.s32 @!p0 $0xFFFFF086;
	s6 =	sadd.s32 @!p0 s3, s7;
	s7 =	simm.s32 @!p0 $0x108  }
0x21: {  	s3 =	sadd.s32 s3, s9;
	s6 =	sadd.s32 @!p0 $0x88, s6;
	s7 =	simm.s32 @p2 $0x1082  }
0x22: {  	[simem:s7], [sflag:s8] =	dma.local @!p0 [hbm:s6], $0xF7A  }
0x23: {  	s9 =	sor.u32 $0xD0000000, s2;
	s6 =	simm.s32 $0x108;
	_ =	swait.ge @!p0 [sflag:s8], $0x0  }
0x24: {  	s3 =	sadd.s32 $0x88, s3;
	s6 =	simm.s32 @!p1 $0x1082;
	[sflag:s4] =	ssyncset.s32 $0xFFFFF086  }
0x25: {  	[simem:s6], [sflag:s4] =	dma.local [hbm:s3], $0xF7A  }
0x26: {  	[smem:$0x3F9F] =	sst s1;
	(tag) =	ssettag s2;
	_ =	strace s9  }
0x27: {  	s1 =	sld [smem:$0x3FAF]  }
0x28: {  	s2 =	sld [smem:$0x3FB0]  }
0x29: {  	s4 =	sld [smem:$0x3FB2]  }
0x2a: {  	p0 =	seq.s32 s5, $0x0;
	s5 =	sld [smem:$0x3FB3]  }
0x2b: {  	s6 =	sld [smem:$0x3FB4]  }
0x2c: {  	s7 =	sld [smem:$0x3FB5]  }
0x2d: {  	s3 =	simm.s32 $0x108;
	s8 =	sld [smem:$0x3FB6]  }
0x2e: {  	s3 =	simm.s32 @!p0 $0x1082;
	s9 =	sld [smem:$0x3FB7]  }
0x2f: {  	lr =	sadd.s32 s0, s3;
	s0 =	sld [smem:$0x3FAE]  }
0x30: {  	s3 =	sld [smem:$0x3FB1]  }
0x31: {  	[smem:$0x3FBA] =	sst s10  }
0x32: {  	s10 =	sld [smem:$0x3FB8];
	_ =	sdelay $0x3  }
0x33: {  	p0 =	seq.s32 s10, $0x1;
	s10 =	sld [smem:$0x3FBA];
	_ =	sdelay $0x3  }
0x34: {  	[smem:$0x3FBA] =	sst s10  }
0x35: {  	s10 =	sld [smem:$0x3FB9];
	_ =	sdelay $0x3  }
0x36: {  	p1 =	seq.s32 s10, $0x1;
	s10 =	sld [smem:$0x3FBA];
	_ =	sdelay $0x3  }
0x37: {  	[smem:$0x3FBA] =	sst s10  }
0x38: {  	s10 =	sld [smem:$0x3FBB]  }
0x39: {  	_ = 	snop;
	(pc) =	sbr.ind lr, $3  }
0x3a: {  	_ = 	snop  }
0x3b: {  	_ = 	snop  }
0x3c: {  	p2 =	seq.s32 s10, $0x1;
	s10 =	sld [smem:$0x3FBA]  }
0x3d: {  	_ =	shalt  }
0x3e: {  	_ =	shalt  }
0x3f: {  	_ =	shalt  }
0x40: {  	_ =	shalt  }
0x41: {  	_ =	shalt  }
0x42: {  	_ =	shalt  }
0x43: {  	_ =	shalt  }
0x44: {  	_ =	shalt  }
0x45: {  	_ =	shalt  }
0x46: {  	_ =	shalt  }
0x47: {  	_ =	shalt  }
0x48: {  	_ =	shalt  }
0x49: {  	_ =	shalt  }
0x4a: {  	_ =	shalt  }
0x4b: {  	_ =	shalt  }
0x4c: {  	_ =	shalt  }
0x4d: {  	_ =	shalt  }
0x4e: {  	_ =	shalt  }
0x4f: {  	_ =	shalt  }
0x50: {  	_ =	shalt  }
0x51: {  	_ =	shalt  }
0x52: {  	_ =	shalt  }
0x53: {  	_ =	shalt  }
0x54: {  	_ =	shalt  }
0x55: {  	_ =	shalt  }
0x56: {  	_ =	shalt  }
0x57: {  	_ =	shalt  }
0x58: {  	_ =	shalt  }
0x59: {  	_ =	shalt  }
0x5a: {  	_ =	shalt  }
0x5b: {  	_ =	shalt  }
0x5c: {  	_ =	shalt  }
0x5d: {  	_ =	shalt  }
0x5e: {  	_ =	shalt  }
0x5f: {  	_ =	shalt  }
0x60: {  	_ =	shalt  }
0x61: {  	_ =	shalt  }
0x62: {  	_ =	shalt  }
0x63: {  	_ =	shalt  }
0x64: {  	_ =	shalt  }
0x65: {  	_ =	shalt  }
0x66: {  	_ =	shalt  }
0x67: {  	_ =	shalt  }
0x68: {  	_ =	shalt  }
0x69: {  	_ =	shalt  }
0x6a: {  	_ =	shalt  }
0x6b: {  	_ =	shalt  }
0x6c: {  	_ =	shalt  }
0x6d: {  	_ =	shalt  }
0x6e: {  	_ =	shalt  }
0x6f: {  	_ =	shalt  }
0x70: {  	_ =	shalt  }
0x71: {  	_ =	shalt  }
0x72: {  	_ =	shalt  }
0x73: {  	_ =	shalt  }
0x74: {  	_ =	shalt  }
0x75: {  	_ =	shalt  }
0x76: {  	_ =	shalt  }
0x77: {  	_ =	shalt  }
0x78: {  	_ =	shalt  }
0x79: {  	_ =	shalt  }
0x7a: {  	_ =	shalt  }
0x7b: {  	_ =	shalt  }
0x7c: {  	_ =	shalt  }
0x7d: {  	_ =	shalt  }
0x7e: {  	_ =	shalt  }
0x7f: {  	_ =	shalt  }
0x80: {  	_ =	shalt  }
0x81: {  	_ =	shalt  }
0x82: {  	_ =	shalt  }
0x83: {  	_ =	shalt  }
0x84: {  	_ =	shalt  }
0x85: {  	_ =	shalt  }
0x86: {  	_ =	shalt  }
0x87: {  	_ =	shalt  }
.Lfunc_end0:
.L_simem_size_0:
called_computation_lowered:
.L_overlay_start_0:
0x88: {  	s2 =	sld [smem:$0x3FD9]  }
0x89: {  	s3 =	sld [smem:$0x3FFE];
	_ =	sdelay $0x1  }
0x8a: {  	s1 =	srdreg.scid  }
0x8b: {  	s0 =	sand.u32 $0x1, s1  }
0x8c: {  	s17 =	sshll.u32 s0, $0xA;
	s2 =	sadd.s32 s3, s2  }
0x8d: {  	s2 =	sadd.s32 s2, s17  }
0x8e: {  	[smem:$0x3FC6] =	sst s2  }
0x8f: {  	_ = 	snop  }
0x90: {  	s2 =	sld [smem:$0x3FC8]  }
0x91: {  	s18 =	sld [smem:$0x3FD0];
	(tm) =	ssettm $0x1  }
0x92: {  	s4 =	sld [smem:$0x3FFB];
	_ =	sdelay $0x3  }
0x93: {  	_ =	strace s4  }
0x94: {  	s4 =	sld [smem:$0x3FFC];
	_ =	sdelay $0x3  }
0x95: {  	_ =	strace s4  }
0x96: {  	s4 =	sld [smem:$0x3FFD];
	_ =	sdelay $0x3  }
0x97: {  	_ =	strace s4  }
0x98: {  	_ =	strace $0x8FFFFFFF  }
0x99: {  	s19 =	sld [smem:$0x3FDB];
	_ =	sdelay $0x1  }
0x9a: {  	s5 =	simm.s32 $_scs_section_size  }
0x9b: {  	s6 =	simm.s32 $_size__tile_overlayer_lowered;
	s7 =	simm.s32 $_tile_overlayer_lowered  }
0x9c: {  	s22 =	simm.s32 $0x1BFF;
	s21 =	sshll.u32 s7, $0x1;
	s4 =	sadd.s32 s5, s19  }
0x9d: {  	s8 =	simm.s32 $0x0;
	s20 =	sshll.u32 s6, $0x1;
	s6 =	sadd.s32 s21, s4  }
0x9e: {  	[timem:s8], [sflag:s22] =	dma.local [hbm:s6], s20  }
0x9f: {  	_ =	swait.ge [sflag:s22], s20  }
0xa0: {  	s5 =	ssub.s32 $0x0, s20;
	[sflag:s22] =	ssyncset.done $0x0  }
0xa1: {  	[sflag:s22] =	ssyncadd.s32 s5;
	_ =	sdelay $0x1  }
0xa2: {  	s23 =	simm.s32 $0x1B8B  }
0xa3: {  	_ =	swait.ge [sflag:s23], $0x1  }
0xa4: {  	[sflag:s23] =	ssyncset.done $0x0  }
0xa5: {  	s25 =	simm.s32 $0x1B8E;
	s24 =	sld [smem:$0x3FFE];
	[sflag:s23] =	ssyncadd.s32 $0xFFFFFFFF  }
0xa6: {  	s26 =	simm.s32 $execute0_lowered;
	[smem:$0x3FD2] =	sst s25  }
0xa7: {  	s6 =	sshll.u32 s26, $0x1;
	_ =	strace $0x80000046;
	[dreg:$0x1] =	wrdreg $0xFFFFFFFF  }
0xa8: {  	s28 =	simm.s32 $_size_execute0_lowered;
	s4 =	sadd.s32 s4, s6;
	[dreg:$0x0] =	wrdreg $0x0  }
0xa9: {  	s6 =	sshll.u32 s28, $0x1;
	[dreg:$0x2] =	wrdreg s4  }
0xaa: {  	[dreg:$0x3] =	wrdreg s6  }
0xab: {  	[dreg:$0x4] =	wrdreg $0xC0  }
0xac: {  	_ =	task [dreg:s8], $0x5FFFF  }
0xad: {  	[dreg:$0x1] =	wrdreg $0xFFFFFFFF  }
0xae: {  	[dreg:$0x0] =	wrdreg $0x60  }
0xaf: {  	[dreg:$0x2] =	wrdreg s24  }
0xb0: {  	[dreg:$0x3] =	wrdreg s2  }
0xb1: {  	[dreg:$0x4] =	wrdreg s18  }
0xb2: {  	[dreg:$0x5] =	wrdreg $0x104000  }
0xb3: {  	[dreg:$0x6] =	wrdreg $0x9  }
0xb4: {  	_ =	task.clear_ibuf [dreg:s8], $0x7FFFF;
	_ =	strace $0x90000046  }
0xb5: {  	s29 =	simm.s32 $0x9;
	_ =	strace $0x80000048  }
0xb6: {  	_ =	swait.ge [sflag:s29], $0x1  }
0xb7: {  	[sflag:s29] =	ssyncadd.s32 $0xFFFFFFFF  }
0xb8: {  	_ =	strace $0x90000048  }
0xb9: {  	_ =	sfence  }
0xba: {  	s30 =	sld [smem:$0x0];
	_ =	sdelay $0x2  }
0xbb: {  	s31 =	sshll.u32 s1, $0xD;
	s1 =	sshrl.u32 s1, $0x2  }
0xbc: {  	s3 =	sand.u32 $0x4000, s31;
	s1 =	sadd.s32 s1, s30  }
0xbd: {  	s0 =	sor.u32 s3, s0;
	s1 =	sshll.u32 s1, $0x11  }
0xbe: {  	s0 =	sor.u32 s1, s0  }
0xbf: {  	s0 =	sadd.s32 $0x8F2B, s0  }
0xc0: {  	[sflag:s0] =	ssyncadd.remote.s32 $0x1  }
0xc1: {  	_ =	sfence.sel $0xFFFF  }
0xc2: {  	[dreg:$0x0] =	wrdreg $0xFFFFFFFF;
	(pc) =	sbr.abs _section_cstart, $3  }
0xc3: {  	[dreg:$0x1] =	wrdreg $0xFFFFFFFF  }
0xc4: {  	_ =	task.clear_ibuf [dreg:s8], $0x2FFFF;
	_ =	strace $0x9FFFFFFF  }
0xc5: {  	(tm) =	ssettm $0x7FFFFFFF  }
tec
execute0_lowered:
.L_overlay_start_1:
0x0: {  	(tag) =	ssettag $0x1  }
0x1: {  	s0 =	rddreg [dreg:$0x0]  }
0x2: {  	s1 =	rddreg [dreg:$0x1]  }
0x3: {  	s4 =	rddreg [dreg:$0x2]  }
0x4: {  	s7 =	rddreg [dreg:$0x3]  }
0x5: {  	s3 =	srdreg.scid;
	s2 =	stileid.u32  }
0x6: {  	s19 =	simm.s32 $0x400;
	s28 =	simm.s32 $0x4400;
	s29 =	simm.s32 $0xC400  }
0x7: {  	s30 =	simm.s32 $0xB;
	s12 =	sand.u32 $0x1, s3;
	s3 =	simm.s32 $0x0  }
0x8: {  	s5 =	sshll.u32 s2, $0xB;
	s8 =	smul.u32 $0x30000, s2;
	s24 =	sshll.u32 s2, $0x12  }
0x9: {  	s6 =	sshll.u32 s12, $0xA;
	[smem:$0x7FF] =	sst s3;
	s20 =	ssub.s32 $0x2, s12  }
0xa: {  	s25 =	sshll.u32 s12, $0x11;
	s10 =	sor.u32 s6, s5;
	_ =	strace $0x80000047  }
0xb: {  	s21 =	sshrl.u32 s20, $0x1;
	s22 =	sshrl.u32 s8, $0x2;
	s6 =	sadd.s32 $0x200, s1  }
0xc: {  	s8 =	sadd.s32 $0x300, s1;
	s5 =	sshrl.u32 s10, $0x3;
	s13 =	ssub.s32 s20, s21  }
0xd: {  	s7 =	sadd.s32 s22, s7;
	s23 =	sshll.u32 s10, $0x7;
	s20 =	simm.s32 $0x2  }
0xe: {  	s21 =	simm.s32 $0x5;
	s22 =	simm.s32 $0x3;
	s0 =	sadd.s32 s5, s0  }
0xf: {  	s5 =	sadd.s32 $0x100, s1;
	s9 =	sadd.s32 $0x4000, s7;
	s10 =	sadd.s32 s4, s23  }
0x10: {  	s11 =	sadd.s32 $0x8000, s7;
	s31 =	smax.u32 s13, $0x1;
	s23 =	simm.s32 $0xA  }
0x11: {  	s0 =	sadd.s32 $0x400, s0;
	s14 =	sadd.s32 $0x1F000, s10;
	[dreg:$0x8] =	wrdreg s31  }
.Ltmp0:
0x12: {  	s26 =	sadd.s32 $0x1F800, s10;
	[dreg:$0x5] =	wrdreg s0;
	(pc) =	sbr.rel .LBB2_1-.Ltmp0, $4  }
0x13: {  	s15 =	sadd.s32 $0xFFFFF800, s10;
	s16 =	sadd.s32 $0x800, s10;
	[dreg:$0x6] =	wrdreg s14  }
0x14: {  	v2 =	vlaneseq.u32;
	s0 =	sadd.s32 s24, s4;
	[dreg:$0x7] =	wrdreg s26;
	s14 =	simm.s32 $0x8400  }
0x15: {  	vm0 =	vmmov $0xffff;
	v1 =	vshrl.u32 v2, $0x3;
	s26 =	simm.s32 $0x1;
	s24 =	simm.s32 $0x6;
	s0 =	sadd.s32 s25, s0  }
0x16: {  	v0 =	vand.u32 $0x7, v2;
	v2 =	vor.u32 $0x8, v2;
	v1 =	vmul.u32 $0x8, v1;
	s4 =	simm.s32 $0x0;
	s25 =	simm.s32 $0x4;
	s17 =	sadd.s32 $0xFFFFF000, s0  }
.LBB2_11:
0x17: {  	s0 =	simm.s32 $0x7  }
0x18: {  	_ =	swait.ge [sflag:s0], $0x4000  }
0x19: {  	s31 =	sor.u32 $0x1C0A, s12;
	[sflag:s0] =	ssyncset.done $0x0  }
0x1a: {  	s4 =	sshrl.u32 s9, $0x3;
	s13 =	rddreg [dreg:$0x6];
	[sflag:s0] =	ssyncadd.s32 $0xFFFFC000  }
0x1b: {  	[hbm:s13], [sflag:s31] =	dma.local [spmem:s4], $0x800  }
0x1c: {  	s4 =	simm.s32 $0x8  }
0x1d: {  	_ =	swait.ge [sflag:s4], $0x4000  }
0x1e: {  	s18 =	sshrl.u32 s11, $0x3;
	[sflag:s4] =	ssyncset.done $0x0  }
0x1f: {  	s13 =	sor.u32 $0x1C0B, s12;
	s31 =	rddreg [dreg:$0x7];
	[sflag:s4] =	ssyncadd.s32 $0xFFFFC000  }
0x20: {  	[hbm:s31], [sflag:s13] =	dma.local [spmem:s18], $0x800  }
0x21: {  	s13 =	simm.s32 $0x9  }
0x22: {  	_ =	swait.ge [sflag:s13], $0x800  }
0x23: {  	[sflag:s13] =	ssyncset.done $0x0  }
0x24: {  	[sflag:s13] =	ssyncadd.s32 $0xFFFFF800  }
0x25: {  	_ =	swait.ge [sflag:s23], $0x800  }
0x26: {  	[sflag:s23] =	ssyncset.done $0x0  }
0x27: {  	[sflag:s23] =	ssyncadd.s32 $0xFFFFF800  }
0x28: {  	_ =	swait.ge [sflag:s30], $0x800  }
0x29: {  	s18 =	rddreg [dreg:$0x9]  }
0x2a: {  	s31 =	rddreg [dreg:$0x8];
	s4 =	sadd.s32 $0x1, s18  }
0x2b: {  	p0 =	sne.s32 s4, s31  }
.Ltmp1:
0x2c: {  	_ = 	snop;
	(pc) =	sbr.rel @!p0 .LBB2_12-.Ltmp1, $3  }
0x2d: {  	_ =	sdelay $0x1  }
0x2e: {  	[sflag:s30] =	ssyncset.done $0x0  }
0x2f: {  	[sflag:s30] =	ssyncadd.s32 $0xFFFFF800  }
.LBB2_1:
0x30: {  	[dreg:$0x9] =	wrdreg s4  }
0x31: {  	s0 =	rddreg [dreg:$0x5];
	s12 =	simm.s32 $0xC  }
0x32: {  	[tilespmem:s3], [sflag:$0xC] =	stream.linear.gather [hbm4b:s0+s3], $0x400, $0x38;
	[tilespmem:$0x1C400] =	vst v63  }
0x33: {  	_ =	swait.ge [sflag:s12], $0x400  }
0x34: {  	[sflag:s12] =	ssyncset.done $0x0  }
0x35: {  	[sflag:s12] =	ssyncadd.s32 $0xFFFFFC00  }
0x36: {  	v3 =	vld [tilespmem:$0x0];
	_ =	sdelay $0x4  }
0x37: {  	v4 =	vshll.u32 v3, $0x3  }
0x38: {  	v3 =	vand.u32 $0x7, v3;
	v4 =	vand.u32 $0xFFFFFFC0, v4  }
0x39: {  	v3 =	vor.u32 v3, v4  }
0x3a: {  	v4 =	vperm.xlane v3, v0;
	_ =	sdelay $0x1  }
0x3b: {  	v4 =	vadd.s32 v1, v4;
	_ =	sdelay $0x4  }
0x3c: {  	[tilespmem:s19], [sflag:$0x1] =	stream.indirect_vreg.gather [hbm4b:s1+s3], $0x80, v4, vm0, $0xb8;
	[tilespmem:$0x1C400] =	vst v63  }
0x3d: {  	s13 =	simm.s32 $0xC00;
	v3 =	vperm.xlane v3, v2  }
0x3e: {  	[tilespmem:s13], [sflag:$0x1] =	stream.indirect_vreg.gather [hbm4b:s5+s3], $0x80, v4, vm0, $0xb8;
	[tilespmem:$0x1C400] =	vst v63  }
0x3f: {  	s18 =	simm.s32 $0x1400;
	v3 =	vadd.s32 v1, v3  }
0x40: {  	[tilespmem:s18], [sflag:$0x1] =	stream.indirect_vreg.gather [hbm4b:s6+s3], $0x80, v4, vm0, $0xb8;
	[tilespmem:$0x1C400] =	vst v63  }
0x41: {  	s4 =	simm.s32 $0x1C00  }
0x42: {  	[tilespmem:s4], [sflag:$0x1] =	stream.indirect_vreg.gather [hbm4b:s8+s3], $0x80, v4, vm0, $0xb8;
	[tilespmem:$0x1C400] =	vst v63  }
0x43: {  	s12 =	simm.s32 $0x2400  }
0x44: {  	[tilespmem:s12], [sflag:$0x1] =	stream.indirect_vreg.gather [hbm4b:s1+s3], $0x80, v3, vm0, $0xb8;
	[tilespmem:$0x1C400] =	vst v63  }
0x45: {  	s13 =	simm.s32 $0x2C00  }
0x46: {  	[tilespmem:s13], [sflag:$0x1] =	stream.indirect_vreg.gather [hbm4b:s5+s3], $0x80, v3, vm0, $0xb8;
	[tilespmem:$0x1C400] =	vst v63  }
0x47: {  	s18 =	simm.s32 $0x3400  }
0x48: {  	[tilespmem:s18], [sflag:$0x1] =	stream.indirect_vreg.gather [hbm4b:s6+s3], $0x80, v3, vm0, $0xb8;
	[tilespmem:$0x1C400] =	vst v63  }
0x49: {  	s4 =	simm.s32 $0x3C00  }
0x4a: {  	[tilespmem:s4], [sflag:$0x1] =	stream.indirect_vreg.gather [hbm4b:s8+s3], $0x80, v3, vm0, $0xb8;
	[tilespmem:$0x1C400] =	vst v63  }
0x4b: {  	v3 =	vld [tilespmem:$0x10];
	_ =	sdelay $0x4  }
0x4c: {  	v63 =	vshll.u32 v3, $0x3  }
0x4d: {  	v3 =	vand.u32 $0x7, v3;
	v4 =	vand.u32 $0xFFFFFFC0, v63  }
0x4e: {  	v3 =	vor.u32 v3, v4  }
0x4f: {  	v4 =	vperm.xlane v3, v0;
	_ =	sdelay $0x1  }
0x50: {  	v4 =	vadd.s32 v1, v4;
	_ =	sdelay $0x4  }
0x51: {  	[tilespmem:s28], [sflag:$0x2] =	stream.indirect_vreg.gather [hbm4b:s1+s3], $0x80, v4, vm0, $0xb8;
	[tilespmem:$0x1C400] =	vst v63  }
0x52: {  	s12 =	simm.s32 $0x4C00;
	v3 =	vperm.xlane v3, v2  }
0x53: {  	[tilespmem:s12], [sflag:$0x2] =	stream.indirect_vreg.gather [hbm4b:s5+s3], $0x80, v4, vm0, $0xb8;
	[tilespmem:$0x1C400] =	vst v63  }
0x54: {  	s13 =	simm.s32 $0x5400;
	v3 =	vadd.s32 v1, v3  }
0x55: {  	[tilespmem:s13], [sflag:$0x2] =	stream.indirect_vreg.gather [hbm4b:s6+s3], $0x80, v4, vm0, $0xb8;
	[tilespmem:$0x1C400] =	vst v63  }
0x56: {  	s18 =	simm.s32 $0x5C00  }
0x57: {  	[tilespmem:s18], [sflag:$0x2] =	stream.indirect_vreg.gather [hbm4b:s8+s3], $0x80, v4, vm0, $0xb8;
	[tilespmem:$0x1C400] =	vst v63  }
0x58: {  	s4 =	simm.s32 $0x6400  }
0x59: {  	[tilespmem:s4], [sflag:$0x2] =	stream.indirect_vreg.gather [hbm4b:s1+s3], $0x80, v3, vm0, $0xb8;
	[tilespmem:$0x1C400] =	vst v63  }
0x5a: {  	s12 =	simm.s32 $0x6C00  }
0x5b: {  	[tilespmem:s12], [sflag:$0x2] =	stream.indirect_vreg.gather [hbm4b:s5+s3], $0x80, v3, vm0, $0xb8;
	[tilespmem:$0x1C400] =	vst v63  }
.Ltmp2:
0x5c: {  	_ = 	snop;
	(pc) =	sbr.rel .LBB2_2-.Ltmp2, $4  }
0x5d: {  	s13 =	simm.s32 $0x7400  }
0x5e: {  	[tilespmem:s13], [sflag:$0x2] =	stream.indirect_vreg.gather [hbm4b:s6+s3], $0x80, v3, vm0, $0xb8;
	[tilespmem:$0x1C400] =	vst v63  }
0x5f: {  	s31 =	simm.s32 $0x30;
	s0 =	simm.s32 $0x0;
	s18 =	simm.s32 $0x7C00  }
0x60: {  	[tilespmem:s18], [sflag:$0x2] =	stream.indirect_vreg.gather [hbm4b:s8+s3], $0x80, v3, vm0, $0xb8;
	[tilespmem:$0x1C400] =	vst v63  }
.LBB2_7:
0x61: {  	_ =	swait.ge [sflag:s25], $0x4000  }
0x62: {  	[sflag:s25] =	ssyncset.done $0x0  }
0x63: {  	[sflag:s25] =	ssyncadd.s32 $0xFFFFC000  }
.LBB2_9:
0x64: {  	_ =	swait.ge [sflag:s30], $0x800  }
0x65: {  	[sflag:s30] =	ssyncset.done $0x0  }
0x66: {  	[sflag:s30] =	ssyncadd.s32 $0xFFFFF800  }
.LBB2_10:
0x67: {  	s0 =	sadd.s32 $0x2000, s0  }
0x68: {  	p0 =	sne.s32 s0, $0x20000  }
.Ltmp3:
0x69: {  	_ = 	snop;
	(pc) =	sbr.rel @!p0 .LBB2_11-.Ltmp3, $3  }
0x6a: {  	_ =	sdelay $0x1  }
0x6b: {  	[spmem:s11] =	stream.linear.scatter [tilespmem:s29], [sflag:$0x8], $0x4000, $0x38;
	[tilespmem:$0x1C400] =	vst v63  }
0x6c: {  	s31 =	sadd.s32 $0x40, s31  }
.LBB2_2:
0x6d: {  	p0 =	seq.s32 s0, $0x0  }
0x6e: {  	s4 =	simm.s32 @!p0 $0x7  }
0x6f: {  	_ =	swait.ge @!p0 [sflag:s4], $0x4000  }
0x70: {  	s12 =	sshll.u32 @!p0 s2, $0x6;
	s18 =	sshrl.u32 @!p0 s9, $0x3;
	[sflag:s4] =	ssyncset.done @!p0 $0x0  }
0x71: {  	s13 =	sor.u32 @!p0 $0x1C0A, s12;
	[sflag:s4] =	ssyncadd.s32 @!p0 $0xFFFFC000;
	s4 =	sadd.s32 @!p0 s0, s17  }
0x72: {  	[hbm:s4], [sflag:s13] =	dma.local @!p0 [spmem:s18], $0x800  }
0x73: {  	v3 =	vld [tilespmem:s31+$0xFFFFFFF0];
	_ =	sdelay $0x4  }
0x74: {  	v4 =	vshll.u32 v3, $0x3  }
0x75: {  	v3 =	vand.u32 $0x7, v3;
	v4 =	vand.u32 $0xFFFFFFC0, v4  }
0x76: {  	v3 =	vor.u32 v3, v4  }
0x77: {  	v4 =	vperm.xlane v3, v0;
	_ =	sdelay $0x1  }
0x78: {  	v4 =	vadd.s32 v1, v4;
	_ =	sdelay $0x4  }
0x79: {  	[tilespmem:s14], [sflag:$0x3] =	stream.indirect_vreg.gather [hbm4b:s1+s3], $0x80, v4, vm0, $0xb8;
	[tilespmem:$0x1C400] =	vst v63  }
0x7a: {  	s13 =	simm.s32 $0x8C00;
	v3 =	vperm.xlane v3, v2  }
0x7b: {  	[tilespmem:s13], [sflag:$0x3] =	stream.indirect_vreg.gather [hbm4b:s5+s3], $0x80, v4, vm0, $0xb8;
	[tilespmem:$0x1C400] =	vst v63  }
0x7c: {  	s18 =	simm.s32 $0x9400;
	v3 =	vadd.s32 v1, v3  }
0x7d: {  	[tilespmem:s18], [sflag:$0x3] =	stream.indirect_vreg.gather [hbm4b:s6+s3], $0x80, v4, vm0, $0xb8;
	[tilespmem:$0x1C400] =	vst v63  }
0x7e: {  	s13 =	simm.s32 $0x9C00  }
0x7f: {  	[tilespmem:s13], [sflag:$0x3] =	stream.indirect_vreg.gather [hbm4b:s8+s3], $0x80, v4, vm0, $0xb8;
	[tilespmem:$0x1C400] =	vst v63  }
0x80: {  	s18 =	simm.s32 $0xA400  }
0x81: {  	[tilespmem:s18], [sflag:$0x3] =	stream.indirect_vreg.gather [hbm4b:s1+s3], $0x80, v3, vm0, $0xb8;
	[tilespmem:$0x1C400] =	vst v63  }
0x82: {  	s13 =	simm.s32 $0xAC00  }
0x83: {  	[tilespmem:s13], [sflag:$0x3] =	stream.indirect_vreg.gather [hbm4b:s5+s3], $0x80, v3, vm0, $0xb8;
	[tilespmem:$0x1C400] =	vst v63  }
0x84: {  	s18 =	simm.s32 $0xB400  }
0x85: {  	[tilespmem:s18], [sflag:$0x3] =	stream.indirect_vreg.gather [hbm4b:s6+s3], $0x80, v3, vm0, $0xb8;
	[tilespmem:$0x1C400] =	vst v63  }
0x86: {  	s13 =	simm.s32 $0xBC00  }
0x87: {  	[tilespmem:s13], [sflag:$0x3] =	stream.indirect_vreg.gather [hbm4b:s8+s3], $0x80, v3, vm0, $0xb8;
	[tilespmem:$0x1C400] =	vst v63  }
0x88: {  	s4 =	smov.u32 s0;
	_ =	swait.ge [sflag:s26], $0x4000  }
0x89: {  	s4 =	simm.s32 @p0 $0x0;
	[sflag:s26] =	ssyncset.done $0x0  }
0x8a: {  	s18 =	sadd.s32 s4, s10;
	s13 =	simm.s32 @!p0 $0x8;
	[sflag:s26] =	ssyncadd.s32 $0xFFFFC000  }
0x8b: {  	[hbm4b:s18+s3] =	stream.linear.scatter [tilespmem:s19], [sflag:$0x5], $0x4000, $0x38;
	[tilespmem:$0x1C400] =	vst v63  }
0x8c: {  	_ =	swait.ge @!p0 [sflag:s13], $0x4000  }
0x8d: {  	s12 =	sor.u32 @!p0 $0x1C0B, s12;
	[sflag:s13] =	ssyncset.done @!p0 $0x0  }
0x8e: {  	s18 =	sshrl.u32 @!p0 s11, $0x3;
	[sflag:s13] =	ssyncadd.s32 @!p0 $0xFFFFC000;
	s13 =	sadd.s32 @!p0 s15, s4  }
0x8f: {  	[hbm:s13], [sflag:s12] =	dma.local @!p0 [spmem:s18], $0x800  }
0x90: {  	v3 =	vld [tilespmem:s31+$0x0];
	_ =	sdelay $0x4  }
0x91: {  	v63 =	vshll.u32 v3, $0x3  }
0x92: {  	v3 =	vand.u32 $0x7, v3;
	v4 =	vand.u32 $0xFFFFFFC0, v63  }
0x93: {  	v3 =	vor.u32 v3, v4  }
0x94: {  	v4 =	vperm.xlane v3, v0;
	_ =	sdelay $0x1  }
0x95: {  	v4 =	vadd.s32 v1, v4;
	_ =	sdelay $0x4  }
0x96: {  	[tilespmem:s29], [sflag:$0x4] =	stream.indirect_vreg.gather [hbm4b:s1+s3], $0x80, v4, vm0, $0xb8;
	[tilespmem:$0x1C400] =	vst v63  }
0x97: {  	s18 =	simm.s32 $0xCC00;
	v3 =	vperm.xlane v3, v2  }
0x98: {  	[tilespmem:s18], [sflag:$0x4] =	stream.indirect_vreg.gather [hbm4b:s5+s3], $0x80, v4, vm0, $0xb8;
	[tilespmem:$0x1C400] =	vst v63  }
0x99: {  	s13 =	simm.s32 $0xD400;
	v3 =	vadd.s32 v1, v3  }
0x9a: {  	[tilespmem:s13], [sflag:$0x4] =	stream.indirect_vreg.gather [hbm4b:s6+s3], $0x80, v4, vm0, $0xb8;
	[tilespmem:$0x1C400] =	vst v63  }
0x9b: {  	s18 =	simm.s32 $0xDC00  }
0x9c: {  	[tilespmem:s18], [sflag:$0x4] =	stream.indirect_vreg.gather [hbm4b:s8+s3], $0x80, v4, vm0, $0xb8;
	[tilespmem:$0x1C400] =	vst v63  }
0x9d: {  	s13 =	simm.s32 $0xE400  }
0x9e: {  	[tilespmem:s13], [sflag:$0x4] =	stream.indirect_vreg.gather [hbm4b:s1+s3], $0x80, v3, vm0, $0xb8;
	[tilespmem:$0x1C400] =	vst v63  }
0x9f: {  	s18 =	simm.s32 $0xEC00  }
0xa0: {  	[tilespmem:s18], [sflag:$0x4] =	stream.indirect_vreg.gather [hbm4b:s5+s3], $0x80, v3, vm0, $0xb8;
	[tilespmem:$0x1C400] =	vst v63  }
0xa1: {  	s13 =	simm.s32 $0xF400  }
0xa2: {  	[tilespmem:s13], [sflag:$0x4] =	stream.indirect_vreg.gather [hbm4b:s6+s3], $0x80, v3, vm0, $0xb8;
	[tilespmem:$0x1C400] =	vst v63  }
0xa3: {  	s18 =	simm.s32 $0xFC00  }
0xa4: {  	[tilespmem:s18], [sflag:$0x4] =	stream.indirect_vreg.gather [hbm4b:s8+s3], $0x80, v3, vm0, $0xb8;
	[tilespmem:$0x1C400] =	vst v63  }
0xa5: {  	_ =	swait.ge [sflag:s20], $0x4000  }
0xa6: {  	[sflag:s20] =	ssyncset.done $0x0  }
0xa7: {  	s12 =	simm.s32 @!p0 $0x9;
	[sflag:s20] =	ssyncadd.s32 $0xFFFFC000  }
0xa8: {  	_ =	swait.ge @!p0 [sflag:s12], $0x800  }
0xa9: {  	p1 =	sne.s32 s0, $0x1E000;
	[sflag:s12] =	ssyncset.done @!p0 $0x0  }
.Ltmp4:
0xaa: {  	[sflag:s12] =	ssyncadd.s32 @!p0 $0xFFFFF800;
	(pc) =	sbr.rel @p1 .LBB2_4-.Ltmp4, $4  }
0xab: {  	[spmem:s7] =	stream.linear.scatter [tilespmem:s28], [sflag:$0x6], $0x4000, $0x38;
	[tilespmem:$0x1C400] =	vst v63  }
0xac: {  	_ =	swait.ge [sflag:s21], $0x4000  }
0xad: {  	[sflag:s21] =	ssyncset.done $0x0  }
0xae: {  	[sflag:s21] =	ssyncadd.s32 $0xFFFFC000  }
.Ltmp5:
0xaf: {  	(pc) =	sbr.rel .LBB2_5-.Ltmp5, $4  }
0xb0: {  	_ = 	snop  }
0xb1: {  	_ =	swait.ge [sflag:s22], $0x4000  }
0xb2: {  	[sflag:s22] =	ssyncset.done $0x0  }
0xb3: {  	[sflag:s22] =	ssyncadd.s32 $0xFFFFC000  }
.LBB2_4:
0xb4: {  	v3 =	vld [tilespmem:s31+$0x10];
	_ =	sdelay $0x4  }
0xb5: {  	v4 =	vshll.u32 v3, $0x3  }
0xb6: {  	v3 =	vand.u32 $0x7, v3;
	v4 =	vand.u32 $0xFFFFFFC0, v4  }
0xb7: {  	v3 =	vor.u32 v3, v4  }
0xb8: {  	v4 =	vperm.xlane v3, v0;
	_ =	sdelay $0x1  }
0xb9: {  	v4 =	vadd.s32 v1, v4;
	_ =	sdelay $0x4  }
0xba: {  	[tilespmem:s19], [sflag:$0x1] =	stream.indirect_vreg.gather [hbm4b:s1+s3], $0x80, v4, vm0, $0xb8;
	[tilespmem:$0x1C400] =	vst v63  }
0xbb: {  	s12 =	simm.s32 $0xC00;
	v3 =	vperm.xlane v3, v2  }
0xbc: {  	[tilespmem:s12], [sflag:$0x1] =	stream.indirect_vreg.gather [hbm4b:s5+s3], $0x80, v4, vm0, $0xb8;
	[tilespmem:$0x1C400] =	vst v63  }
0xbd: {  	s13 =	simm.s32 $0x1400;
	v3 =	vadd.s32 v1, v3  }
0xbe: {  	[tilespmem:s13], [sflag:$0x1] =	stream.indirect_vreg.gather [hbm4b:s6+s3], $0x80, v4, vm0, $0xb8;
	[tilespmem:$0x1C400] =	vst v63  }
0xbf: {  	s18 =	simm.s32 $0x1C00  }
0xc0: {  	[tilespmem:s18], [sflag:$0x1] =	stream.indirect_vreg.gather [hbm4b:s8+s3], $0x80, v4, vm0, $0xb8;
	[tilespmem:$0x1C400] =	vst v63  }
0xc1: {  	s13 =	simm.s32 $0x2400  }
0xc2: {  	[tilespmem:s13], [sflag:$0x1] =	stream.indirect_vreg.gather [hbm4b:s1+s3], $0x80, v3, vm0, $0xb8;
	[tilespmem:$0x1C400] =	vst v63  }
0xc3: {  	s18 =	simm.s32 $0x2C00  }
0xc4: {  	[tilespmem:s18], [sflag:$0x1] =	stream.indirect_vreg.gather [hbm4b:s5+s3], $0x80, v3, vm0, $0xb8;
	[tilespmem:$0x1C400] =	vst v63  }
0xc5: {  	s13 =	simm.s32 $0x3400  }
0xc6: {  	[tilespmem:s13], [sflag:$0x1] =	stream.indirect_vreg.gather [hbm4b:s6+s3], $0x80, v3, vm0, $0xb8;
	[tilespmem:$0x1C400] =	vst v63  }
.Ltmp6:
0xc7: {  	s18 =	simm.s32 $0x3C00;
	(pc) =	sbr.rel @p0 .LBB2_6-.Ltmp6, $4  }
0xc8: {  	[tilespmem:s18], [sflag:$0x1] =	stream.indirect_vreg.gather [hbm4b:s8+s3], $0x80, v3, vm0, $0xb8;
	[tilespmem:$0x1C400] =	vst v63  }
0xc9: {  	_ =	swait.ge [sflag:s22], $0x4000  }
0xca: {  	[sflag:s22] =	ssyncset.done $0x0  }
0xcb: {  	[sflag:s22] =	ssyncadd.s32 $0xFFFFC000  }
.LBB2_5:
0xcc: {  	_ =	swait.ge [sflag:s23], $0x800  }
0xcd: {  	[sflag:s23] =	ssyncset.done $0x0  }
0xce: {  	[sflag:s23] =	ssyncadd.s32 $0xFFFFF800  }
.LBB2_6:
0xcf: {  	[spmem:s9] =	stream.linear.scatter [tilespmem:s14], [sflag:$0x7], $0x4000, $0x38;
	[tilespmem:$0x1C400] =	vst v63  }
.Ltmp7:
0xd0: {  	_ = 	snop;
	(pc) =	sbr.rel @!p1 .LBB2_7-.Ltmp7, $4  }
0xd1: {  	_ =	swait.ge [sflag:s24], $0x4000  }
0xd2: {  	s12 =	sshll.u32 s2, $0x6;
	s4 =	sadd.s32 s16, s4;
	[sflag:s24] =	ssyncset.done $0x0  }
0xd3: {  	s18 =	sshrl.u32 s7, $0x3;
	s13 =	sor.u32 $0x1C09, s12;
	[sflag:s24] =	ssyncadd.s32 $0xFFFFC000  }
0xd4: {  	[hbm:s4], [sflag:s13] =	dma.local [spmem:s18], $0x800  }
0xd5: {  	v3 =	vld [tilespmem:s31+$0x20];
	_ =	sdelay $0x4  }
0xd6: {  	v4 =	vshll.u32 v3, $0x3  }
0xd7: {  	v3 =	vand.u32 $0x7, v3;
	v4 =	vand.u32 $0xFFFFFFC0, v4  }
0xd8: {  	v3 =	vor.u32 v3, v4  }
0xd9: {  	v4 =	vperm.xlane v3, v0;
	_ =	sdelay $0x1  }
0xda: {  	v4 =	vadd.s32 v1, v4;
	_ =	sdelay $0x4  }
0xdb: {  	[tilespmem:s28], [sflag:$0x2] =	stream.indirect_vreg.gather [hbm4b:s1+s3], $0x80, v4, vm0, $0xb8;
	[tilespmem:$0x1C400] =	vst v63  }
0xdc: {  	s4 =	simm.s32 $0x4C00;
	v3 =	vperm.xlane v3, v2  }
0xdd: {  	[tilespmem:s4], [sflag:$0x2] =	stream.indirect_vreg.gather [hbm4b:s5+s3], $0x80, v4, vm0, $0xb8;
	[tilespmem:$0x1C400] =	vst v63  }
0xde: {  	s13 =	simm.s32 $0x5400;
	v3 =	vadd.s32 v1, v3  }
0xdf: {  	[tilespmem:s13], [sflag:$0x2] =	stream.indirect_vreg.gather [hbm4b:s6+s3], $0x80, v4, vm0, $0xb8;
	[tilespmem:$0x1C400] =	vst v63  }
0xe0: {  	s18 =	simm.s32 $0x5C00  }
0xe1: {  	[tilespmem:s18], [sflag:$0x2] =	stream.indirect_vreg.gather [hbm4b:s8+s3], $0x80, v4, vm0, $0xb8;
	[tilespmem:$0x1C400] =	vst v63  }
0xe2: {  	s13 =	simm.s32 $0x6400  }
0xe3: {  	[tilespmem:s13], [sflag:$0x2] =	stream.indirect_vreg.gather [hbm4b:s1+s3], $0x80, v3, vm0, $0xb8;
	[tilespmem:$0x1C400] =	vst v63  }
0xe4: {  	s18 =	simm.s32 $0x6C00  }
0xe5: {  	[tilespmem:s18], [sflag:$0x2] =	stream.indirect_vreg.gather [hbm4b:s5+s3], $0x80, v3, vm0, $0xb8;
	[tilespmem:$0x1C400] =	vst v63  }
0xe6: {  	s13 =	simm.s32 $0x7400  }
0xe7: {  	[tilespmem:s13], [sflag:$0x2] =	stream.indirect_vreg.gather [hbm4b:s6+s3], $0x80, v3, vm0, $0xb8;
	[tilespmem:$0x1C400] =	vst v63  }
0xe8: {  	s18 =	simm.s32 $0x7C00  }
0xe9: {  	[tilespmem:s18], [sflag:$0x2] =	stream.indirect_vreg.gather [hbm4b:s8+s3], $0x80, v3, vm0, $0xb8;
	[tilespmem:$0x1C400] =	vst v63  }
.Ltmp8:
0xea: {  	_ = 	snop;
	(pc) =	sbr.rel @!p0 .LBB2_9-.Ltmp8, $4  }
.Ltmp9:
0xeb: {  	_ = 	snop;
	(pc) =	sbr.rel @p0 .LBB2_10-.Ltmp9, $4  }
0xec: {  	_ =	swait.ge [sflag:s25], $0x4000  }
0xed: {  	[sflag:s25] =	ssyncset.done $0x0  }
0xee: {  	[sflag:s25] =	ssyncadd.s32 $0xFFFFC000  }
0xef: {  	_ = 	snop  }
.LBB2_12:
0xf0: {  	_ =	sfence.sel $0x180000  }
0xf1: {  	[bflag:$0x0] =	sbarrier.arrive $0xFFFF  }
0xf2: {  	_ =	strace $0x90000047  }
0xf3: {  	[bflag:$0x2] =	sbarrier.arrive $0xFFFF  }
0xf4: {  	p0 =	sne.s32 s2, $0x0;
	s0 =	rddreg [dreg:$0x4]  }
0xf5: {  	s0 =	sadd.s32 @!p0 $0x100000, s0  }
0xf6: {  	[sflag:s0] =	ssyncadd.tile.s32 @!p0 $0x1;
	_ =	shalt  }
.Lfunc_end2:
_tile_overlayer_lowered:
.L_overlay_start_2:
0xf7: {  	(tag) =	ssettag $0x2  }
0xf8: {  	s0 =	rddreg [dreg:$0x0];
	s2 =	stileid.u32  }
0xf9: {  	s1 =	rddreg [dreg:$0x1];
	p0 =	sne.s32 s2, $0x0  }
0xfa: {  	s3 =	rddreg [dreg:$0x2];
	[bflag:$0x3] =	sbarrier.arrive $0xFFFF;
	s2 =	simm.s32 @!p0 $0x1C0C  }
0xfb: {  	[timem:s3], [sflag:s2] =	dma.local @!p0 [hbm:s0], s1  }
0xfc: {  	s0 =	simm.s32 @!p0 $0xC  }
0xfd: {  	_ =	swait.ge @!p0 [sflag:s0], s1  }
0xfe: {  	s1 =	ssub.s32 @!p0 $0x0, s1;
	[sflag:s0] =	ssyncset.done @!p0 $0x0  }
0xff: {  	[sflag:s0] =	ssyncadd.s32 @!p0 s1  }
0x100: {  	[bflag:$0x3] =	sbarrier.arrive $0xFFFF  }
0x101: {  	_ =	shalt  }

</sc_bundles>
